<compile_context>
chip_gen: v7x
topology: tpu7x:2x2x1
jax: 0.10.2.dev20260603
libtpu: 0.0.44.dev20260713+nightly
codegen_flags: <defaults>
</compile_context>

<pallas_src>
import functools

import jax
import jax.numpy as jnp
from jax import lax
from jax.experimental import pallas as pl
from jax.experimental.pallas import tpu as pltpu
from jax.experimental.pallas import tpu_sc as plsc

R = 16384
D = 2048
NIMG = 16
LANES = 16
DL = D // LANES

_info = plsc.get_sparse_core_info()
NC = _info.num_cores
NS = _info.num_subcores
NW = NC * NS
ROWS_PER_W = R // NW
CHUNK = 8
NCHUNK = ROWS_PER_W // CHUNK
NBUF = 4


def _sc_body(counts_hbm, box_hbm, pos_hbm, out_hbm,
             pos_v, bufs, cnt_v, ind_meta, scale_meta,
             load_sems, store_sems, pos_sem):
    wid = lax.axis_index("s") * NC + lax.axis_index("c")
    base = wid * ROWS_PER_W

    def load(ch, b):
        rows = box_hbm.at[pl.ds(base + ch * CHUNK, CHUNK), :]
        return pltpu.make_async_copy(rows, bufs.at[b], load_sems.at[b])

    def store(ch, b):
        rows = out_hbm.at[pl.ds(base + ch * CHUNK, CHUNK), :]
        return pltpu.make_async_copy(bufs.at[b], rows, store_sems.at[b])

    for b in range(NBUF - 1):
        load(b, b).start()

    pltpu.sync_copy(counts_hbm, cnt_v)
    pos_cp = pltpu.make_async_copy(pos_hbm, pos_v.at[pl.ds(0, NIMG), :],
                                   pos_sem)
    pos_cp.start()

    def zero_body(j, _):
        pos_v[NIMG, pl.ds(j * LANES, LANES)] = jnp.zeros((LANES,), jnp.float32)
        return 0
    lax.fori_loop(0, DL, zero_body, 0)

    c = cnt_v[...]
    cf = c.astype(jnp.float32)
    inv = jnp.where(c > 0, 1.0 / cf, 1.0)
    cs = []
    acc = jnp.int32(0)
    for i in range(NIMG):
        acc = acc + c[i]
        cs.append(acc)

    def meta_body(ch, _):
        rid = base + ch * LANES + jnp.arange(LANES, dtype=jnp.int32)
        ind = jnp.zeros((LANES,), jnp.int32)
        for i in range(NIMG):
            ind = ind + jnp.where(cs[i] <= rid, 1, 0)
        scale = jnp.ones((LANES,), jnp.float32)
        for i in range(NIMG):
            scale = jnp.where(ind == i, inv[i], scale)
        ind_meta[pl.ds(ch * LANES, LANES)] = ind
        scale_meta[pl.ds(ch * LANES, LANES)] = scale
        return 0
    lax.fori_loop(0, ROWS_PER_W // LANES, meta_body, 0)
    pos_cp.wait()

    def group_body(g, _):
        for b in range(NBUF):
            ch = g * NBUF + b

            load(ch, b).wait()

            @plsc.parallel_loop(0, CHUNK, 1)
            def row_body(r):
                m = ch * CHUNK + r
                ind = ind_meta[pl.ds(m, LANES)][0]
                s = scale_meta[pl.ds(m, LANES)][0]

                @plsc.parallel_loop(0, DL, 1, unroll=16)
                def col_body(j):
                    sl = pl.ds(j * LANES, LANES)
                    bufs[b, r, sl] = bufs[b, r, sl] * s + pos_v[ind, sl]

            store(ch, b).start()

            @pl.when(ch >= 1)
            def _():
                store(ch - 1, (b - 1) % NBUF).wait()

            @pl.when(ch + NBUF - 1 < NCHUNK)
            def _():
                load(ch + NBUF - 1, (b - 1) % NBUF).start()
        return 0
    lax.fori_loop(0, NCHUNK // NBUF, group_body, 0)

    store(NCHUNK - 1, (NCHUNK - 1) % NBUF).wait()


@jax.jit
def _pos_embed(counts, box, pos):
    mesh = plsc.VectorSubcoreMesh(core_axis_name="c", subcore_axis_name="s")
    f = pl.kernel(
        _sc_body,
        out_type=jax.ShapeDtypeStruct((R, D), jnp.float32),
        mesh=mesh,
        scratch_types=[
            pltpu.VMEM((NIMG + 1, D), jnp.float32),
            pltpu.VMEM((NBUF, CHUNK, D), jnp.float32),
            pltpu.VMEM((NIMG,), jnp.int32),
            pltpu.VMEM((ROWS_PER_W + LANES,), jnp.int32),
            pltpu.VMEM((ROWS_PER_W + LANES,), jnp.float32),
            pltpu.SemaphoreType.DMA((NBUF,)),
            pltpu.SemaphoreType.DMA((NBUF,)),
            pltpu.SemaphoreType.DMA,
        ],
    )
    return f(counts, box, pos)


def kernel(eachimg_selected_box_nums, box_features, positions):
    return _pos_embed(eachimg_selected_box_nums, box_features, positions)

# --- scband reference (transcript-rebuilt; emitter-appended) ---
"""Pipeline reference for scband-pos-embedding-7937099563039 (READ-ONLY COPY).

The authoritative reference and input builder live on the scoring server;
editing this copy changes nothing except your own understanding.
"""

import jax, jax.numpy as jnp
import numpy as np


def setup_inputs(seed: int = 0) -> dict:
    key = jax.random.key(seed)
    k1, k2, k3 = jax.random.split(key, 3)
    # eachimg_selected_box_nums: per-image box counts; values in [0, 1024) so the
    # total never exceeds the 16384 rows of box_features (trailing rows untouched,
    # matching the torch loop semantics).
    counts = jax.random.randint(k1, (16,), 0, 1024, dtype=jnp.int32)
    box_features = jax.random.normal(k2, (16384, 2048), dtype=jnp.float32)
    # learned parameter: positions = torch.rand(max_num, 2048) with max_num=16
    positions = jax.random.uniform(k3, (16, 2048), dtype=jnp.float32)
    return {
        "eachimg_selected_box_nums": counts,
        "box_features": box_features,
        "positions": positions,
    }


def reference(eachimg_selected_box_nums, box_features, positions):
    # Faithful translation of the in-place ragged loop:
    #   box_features[inds:inds+i] = box_features[inds:inds+i] / i + positions[ind]
    counts = eachimg_selected_box_nums
    cs = jnp.cumsum(counts)
    total = cs[-1]
    rows = jnp.arange(box_features.shape[0], dtype=cs.dtype)
    # First image index whose cumulative count exceeds the row index; zero-count
    # images never satisfy this, matching the `if i > 0` skip in the loop.
    ind = jnp.searchsorted(cs, rows, side="right")
    valid = rows < total
    ind_c = jnp.clip(ind, 0, counts.shape[0] - 1)
    denom = jnp.where(valid, counts[ind_c], 1).astype(box_features.dtype)
    updated = box_features / denom[:, None] + positions[ind_c]
    out = jnp.where(valid[:, None], updated, box_features)
    return out

if __name__ == "__main__":
    import jax
    _d = setup_inputs()
    print(jax.jit(kernel)(*tuple(_d.values())))

</pallas_src>

<mosaic_0001>
#map = affine_map<(d0, d1) -> (0)>
#map1 = affine_map<(d0, d1) -> (0, 0)>
module attributes {stable_mosaic.version = 14 : i64} {
  func.func @_sc_body(%arg0: i32, %arg1: i32, %arg2: memref<16xi32, #tpu.memory_space<hbm>>, %arg3: memref<16384x2048xf32, #tpu.memory_space<hbm>>, %arg4: memref<16x2048xf32, #tpu.memory_space<hbm>>, %arg5: memref<16384x2048xf32, #tpu.memory_space<hbm>>, %arg6: memref<17x2048xf32, #tpu.memory_space<vmem>>, %arg7: memref<4x8x2048xf32, #tpu.memory_space<vmem>>, %arg8: memref<16xi32, #tpu.memory_space<vmem>>, %arg9: memref<528xi32, #tpu.memory_space<vmem>>, %arg10: memref<528xf32, #tpu.memory_space<vmem>>, %arg11: memref<4x!tpu.dma_semaphore, #tpu.memory_space<semaphore_mem>>, %arg12: memref<4x!tpu.dma_semaphore, #tpu.memory_space<semaphore_mem>>, %arg13: memref<!tpu.dma_semaphore, #tpu.memory_space<semaphore_mem>>) attributes {dimension_semantics = [#tpu.dimension_semantics<core_parallel>, #tpu.dimension_semantics<subcore_parallel>], iteration_bounds = array<i64: 2, 16>, scalar_prefetch = 0 : i64, scratch_operands = 8 : i64, tpu.core_type = #tpu.core_type<sc_vector_subcore>, window_params = [{transform_indices = #map}, {transform_indices = #map1}, {transform_indices = #map1}, {transform_indices = #map1}]} {
    %mul3A = arith.constant 2 : i32
    %mul3A_0 = arith.muli %arg1, %mul3A : i32
    %add3A = arith.addi %mul3A_0, %arg0 : i32
    %mul3A_1 = arith.constant 512 : i32
    %mul3A_2 = arith.muli %add3A, %mul3A_1 : i32
    %add3A_3 = arith.constant 0 : i32
    %add3A_4 = arith.addi %mul3A_2, %add3A_3 : i32
    %dma_start3A = arith.constant 0 : i32
    %dma_start3A_5 = arith.constant 0 : i32
    %dma_start3A_6 = arith.constant 0 : i32
    %dma_start3A_7 = arith.constant 0 : i32
    %dma_start3A_8 = tpu.memref_slice %arg7[%dma_start3A, %dma_start3A_6, %dma_start3A_7] : memref<4x8x2048xf32, #tpu.memory_space<vmem>> -> memref<1x8x2048xf32, #tpu.memory_space<vmem>>
    %dma_start3A_9 = tpu.memref_squeeze %dma_start3A_8 : memref<1x8x2048xf32, #tpu.memory_space<vmem>> -> memref<8x2048xf32, #tpu.memory_space<vmem>>
    %dma_start3A_10 = arith.constant 0 : i32
    %dma_start3A_11 = tpu.memref_slice %arg3[%add3A_4, %dma_start3A_10] : memref<16384x2048xf32, #tpu.memory_space<hbm>> -> memref<8x2048xf32, #tpu.memory_space<hbm>>
    %dma_start3A_12 = tpu.memref_slice %arg11[%dma_start3A_5] : memref<4x!tpu.dma_semaphore, #tpu.memory_space<semaphore_mem>> -> memref<1x!tpu.dma_semaphore, #tpu.memory_space<semaphore_mem>>
    %dma_start3A_13 = tpu.memref_squeeze %dma_start3A_12 : memref<1x!tpu.dma_semaphore, #tpu.memory_space<semaphore_mem>> -> memref<!tpu.dma_semaphore, #tpu.memory_space<semaphore_mem>>
    %dma_start3A_14 = arith.constant 0 : i32
    %dma_start3A_15 = arith.constant 0 : i32
    %dma_start3A_16 = tpu.memref_slice %arg7[%dma_start3A, %dma_start3A_14, %dma_start3A_15] : memref<4x8x2048xf32, #tpu.memory_space<vmem>> -> memref<1x8x2048xf32, #tpu.memory_space<vmem>>
    %dma_start3A_17 = tpu.memref_squeeze %dma_start3A_16 : memref<1x8x2048xf32, #tpu.memory_space<vmem>> -> memref<8x2048xf32, #tpu.memory_space<vmem>>
    %dma_start3A_18 = arith.constant 0 : i32
    %dma_start3A_19 = tpu.memref_slice %arg3[%add3A_4, %dma_start3A_18] : memref<16384x2048xf32, #tpu.memory_space<hbm>> -> memref<8x2048xf32, #tpu.memory_space<hbm>>
    tpu.enqueue_dma source(%dma_start3A_19 : memref<8x2048xf32, #tpu.memory_space<hbm>>) target(%dma_start3A_17 : memref<8x2048xf32, #tpu.memory_space<vmem>>) target_semaphore(%dma_start3A_13 : memref<!tpu.dma_semaphore, #tpu.memory_space<semaphore_mem>>)
    %add3A_20 = arith.constant 8 : i32
    %add3A_21 = arith.addi %mul3A_2, %add3A_20 : i32
    %dma_start3A_22 = arith.constant 1 : i32
    %dma_start3A_23 = arith.constant 1 : i32
    %dma_start3A_24 = arith.constant 0 : i32
    %dma_start3A_25 = arith.constant 0 : i32
    %dma_start3A_26 = tpu.memref_slice %arg7[%dma_start3A_22, %dma_start3A_24, %dma_start3A_25] : memref<4x8x2048xf32, #tpu.memory_space<vmem>> -> memref<1x8x2048xf32, #tpu.memory_space<vmem>>
    %dma_start3A_27 = tpu.memref_squeeze %dma_start3A_26 : memref<1x8x2048xf32, #tpu.memory_space<vmem>> -> memref<8x2048xf32, #tpu.memory_space<vmem>>
    %dma_start3A_28 = arith.constant 0 : i32
    %dma_start3A_29 = tpu.memref_slice %arg3[%add3A_21, %dma_start3A_28] : memref<16384x2048xf32, #tpu.memory_space<hbm>> -> memref<8x2048xf32, #tpu.memory_space<hbm>>
    %dma_start3A_30 = tpu.memref_slice %arg11[%dma_start3A_23] : memref<4x!tpu.dma_semaphore, #tpu.memory_space<semaphore_mem>> -> memref<1x!tpu.dma_semaphore, #tpu.memory_space<semaphore_mem>>
    %dma_start3A_31 = tpu.memref_squeeze %dma_start3A_30 : memref<1x!tpu.dma_semaphore, #tpu.memory_space<semaphore_mem>> -> memref<!tpu.dma_semaphore, #tpu.memory_space<semaphore_mem>>
    %dma_start3A_32 = arith.constant 0 : i32
    %dma_start3A_33 = arith.constant 0 : i32
    %dma_start3A_34 = tpu.memref_slice %arg7[%dma_start3A_22, %dma_start3A_32, %dma_start3A_33] : memref<4x8x2048xf32, #tpu.memory_space<vmem>> -> memref<1x8x2048xf32, #tpu.memory_space<vmem>>
    %dma_start3A_35 = tpu.memref_squeeze %dma_start3A_34 : memref<1x8x2048xf32, #tpu.memory_space<vmem>> -> memref<8x2048xf32, #tpu.memory_space<vmem>>
    %dma_start3A_36 = arith.constant 0 : i32
    %dma_start3A_37 = tpu.memref_slice %arg3[%add3A_21, %dma_start3A_36] : memref<16384x2048xf32, #tpu.memory_space<hbm>> -> memref<8x2048xf32, #tpu.memory_space<hbm>>
    tpu.enqueue_dma source(%dma_start3A_37 : memref<8x2048xf32, #tpu.memory_space<hbm>>) target(%dma_start3A_35 : memref<8x2048xf32, #tpu.memory_space<vmem>>) target_semaphore(%dma_start3A_31 : memref<!tpu.dma_semaphore, #tpu.memory_space<semaphore_mem>>)
    %add3A_38 = arith.constant 16 : i32
    %add3A_39 = arith.addi %mul3A_2, %add3A_38 : i32
    %dma_start3A_40 = arith.constant 2 : i32
    %dma_start3A_41 = arith.constant 2 : i32
    %dma_start3A_42 = arith.constant 0 : i32
    %dma_start3A_43 = arith.constant 0 : i32
    %dma_start3A_44 = tpu.memref_slice %arg7[%dma_start3A_40, %dma_start3A_42, %dma_start3A_43] : memref<4x8x2048xf32, #tpu.memory_space<vmem>> -> memref<1x8x2048xf32, #tpu.memory_space<vmem>>
    %dma_start3A_45 = tpu.memref_squeeze %dma_start3A_44 : memref<1x8x2048xf32, #tpu.memory_space<vmem>> -> memref<8x2048xf32, #tpu.memory_space<vmem>>
    %dma_start3A_46 = arith.constant 0 : i32
    %dma_start3A_47 = tpu.memref_slice %arg3[%add3A_39, %dma_start3A_46] : memref<16384x2048xf32, #tpu.memory_space<hbm>> -> memref<8x2048xf32, #tpu.memory_space<hbm>>
    %dma_start3A_48 = tpu.memref_slice %arg11[%dma_start3A_41] : memref<4x!tpu.dma_semaphore, #tpu.memory_space<semaphore_mem>> -> memref<1x!tpu.dma_semaphore, #tpu.memory_space<semaphore_mem>>
    %dma_start3A_49 = tpu.memref_squeeze %dma_start3A_48 : memref<1x!tpu.dma_semaphore, #tpu.memory_space<semaphore_mem>> -> memref<!tpu.dma_semaphore, #tpu.memory_space<semaphore_mem>>
    %dma_start3A_50 = arith.constant 0 : i32
    %dma_start3A_51 = arith.constant 0 : i32
    %dma_start3A_52 = tpu.memref_slice %arg7[%dma_start3A_40, %dma_start3A_50, %dma_start3A_51] : memref<4x8x2048xf32, #tpu.memory_space<vmem>> -> memref<1x8x2048xf32, #tpu.memory_space<vmem>>
    %dma_start3A_53 = tpu.memref_squeeze %dma_start3A_52 : memref<1x8x2048xf32, #tpu.memory_space<vmem>> -> memref<8x2048xf32, #tpu.memory_space<vmem>>
    %dma_start3A_54 = arith.constant 0 : i32
    %dma_start3A_55 = tpu.memref_slice %arg3[%add3A_39, %dma_start3A_54] : memref<16384x2048xf32, #tpu.memory_space<hbm>> -> memref<8x2048xf32, #tpu.memory_space<hbm>>
    tpu.enqueue_dma source(%dma_start3A_55 : memref<8x2048xf32, #tpu.memory_space<hbm>>) target(%dma_start3A_53 : memref<8x2048xf32, #tpu.memory_space<vmem>>) target_semaphore(%dma_start3A_49 : memref<!tpu.dma_semaphore, #tpu.memory_space<semaphore_mem>>)
    "tpu.region"() ({
      %run_scoped3A = tpu.sem_alloc : memref<!tpu.dma_semaphore, #tpu.memory_space<semaphore_mem>>
      tpu.enqueue_dma source(%arg2 : memref<16xi32, #tpu.memory_space<hbm>>) target(%arg8 : memref<16xi32, #tpu.memory_space<vmem>>) target_semaphore(%run_scoped3A : memref<!tpu.dma_semaphore, #tpu.memory_space<semaphore_mem>>)
      tpu.wait_dma2 semaphore(%run_scoped3A : memref<!tpu.dma_semaphore, #tpu.memory_space<semaphore_mem>>) src(%arg2 : memref<16xi32, #tpu.memory_space<hbm>>) dst(%arg8 : memref<16xi32, #tpu.memory_space<vmem>>)
      tpu.yield
    }) : () -> ()
    %dma_start3A_56 = arith.constant 0 : i32
    %dma_start3A_57 = arith.constant 0 : i32
    %dma_start3A_58 = tpu.memref_slice %arg6[%dma_start3A_56, %dma_start3A_57] : memref<17x2048xf32, #tpu.memory_space<vmem>> -> memref<16x2048xf32, #tpu.memory_space<vmem>>
    %dma_start3A_59 = arith.constant 0 : i32
    %dma_start3A_60 = arith.constant 0 : i32
    %dma_start3A_61 = tpu.memref_slice %arg6[%dma_start3A_59, %dma_start3A_60] : memref<17x2048xf32, #tpu.memory_space<vmem>> -> memref<16x2048xf32, #tpu.memory_space<vmem>>
    tpu.enqueue_dma source(%arg4 : memref<16x2048xf32, #tpu.memory_space<hbm>>) target(%dma_start3A_61 : memref<16x2048xf32, #tpu.memory_space<vmem>>) target_semaphore(%arg13 : memref<!tpu.dma_semaphore, #tpu.memory_space<semaphore_mem>>)
    %scan3A = arith.constant 0 : i32
    %scan3A_62 = arith.constant 0 : i32
    %scan3A_63 = arith.constant 128 : i32
    %scan3A_64 = arith.addi %scan3A_62, %scan3A_63 : i32
    %scan3A_65 = arith.constant 1 : i32
    %scan3A_66 = scf.for %scan3A_158 = %scan3A_62 to %scan3A_64 step %scan3A_65 iter_args(%scan3A_159 = %scan3A) -> (i32)  : i32 {
      %broadcast_in_dim3A_160 = arith.constant 0.000000e+00 : f32
      %broadcast_in_dim3A_161 = vector.broadcast %broadcast_in_dim3A_160 : f32 to vector<16xf32>
      %mul3A_162 = arith.constant 16 : i32
      %mul3A_163 = arith.muli %scan3A_158, %mul3A_162 : i32
      %swap3A = arith.constant 16 : i32
      %swap3A_164 = arith.index_cast %swap3A : i32 to index
      %swap3A_165 = arith.index_cast %mul3A_163 : i32 to index
      %swap3A_166 = tpu.vector_load %arg6[%swap3A_164, %swap3A_165] {strides = array<i32>} : memref<17x2048xf32, #tpu.memory_space<vmem>>, vector<1x16xf32>,
      %swap3A_167 = vector.shape_cast %swap3A_166 : vector<1x16xf32> to vector<16xf32>
      %swap3A_168 = vector.shape_cast %broadcast_in_dim3A_161 : vector<16xf32> to vector<1x16xf32>
      tpu.vector_store %arg6[%swap3A_164, %swap3A_165], %swap3A_168 {strides = array<i32>} : memref<17x2048xf32, #tpu.memory_space<vmem>>, vector<1x16xf32>,
      %scan3A_169 = arith.constant 0 : i32
      scf.yield %scan3A_169 : i32
    }
    %scan3A_67 = arith.constant 128 : i32
    %get3A = arith.constant 0 : index
    %get3A_68 = tpu.vector_load %arg8[%get3A] {strides = array<i32>} : memref<16xi32, #tpu.memory_space<vmem>>, vector<16xi32>,
    %get3A_69 = vector.shape_cast %get3A_68 : vector<16xi32> to vector<16xi32>
    %convert_element_type3A = arith.sitofp %get3A_69 : vector<16xi32> to vector<16xf32>
    %gt3A = arith.constant 0 : i32
    %gt3A_70 = vector.broadcast %gt3A : i32 to vector<16xi32>
    %gt3A_71 = arith.cmpi sgt, %get3A_69, %gt3A_70 : vector<16xi32>
    %div3A = arith.constant 1.000000e+00 : f32
    %div3A_72 = vector.broadcast %div3A : f32 to vector<16xf32>
    %div3A_73 = arith.divf %div3A_72, %convert_element_type3A : vector<16xf32>
    %jit3A = arith.constant 1.000000e+00 : f32
    %broadcast_in_dim3A = vector.broadcast %jit3A : f32 to vector<16xf32>
    %select_n3A = arith.select %gt3A_71, %div3A_73, %broadcast_in_dim3A : vector<16xi1>, vector<16xf32>
    %slice3A = vector.extract_strided_slice %get3A_69 {offsets = [0], sizes = [1], strides = [1]} : vector<16xi32> to vector<1xi32>
    %squeeze3A = vector.extract %slice3A[0] : i32 from vector<1xi32>
    %add3A_74 = arith.constant 0 : i32
    %add3A_75 = arith.addi %add3A_74, %squeeze3A : i32
    %slice3A_76 = vector.extract_strided_slice %get3A_69 {offsets = [1], sizes = [1], strides = [1]} : vector<16xi32> to vector<1xi32>
    %squeeze3A_77 = vector.extract %slice3A_76[0] : i32 from vector<1xi32>
    %add3A_78 = arith.addi %add3A_75, %squeeze3A_77 : i32
    %slice3A_79 = vector.extract_strided_slice %get3A_69 {offsets = [2], sizes = [1], strides = [1]} : vector<16xi32> to vector<1xi32>
    %squeeze3A_80 = vector.extract %slice3A_79[0] : i32 from vector<1xi32>
    %add3A_81 = arith.addi %add3A_78, %squeeze3A_80 : i32
    %slice3A_82 = vector.extract_strided_slice %get3A_69 {offsets = [3], sizes = [1], strides = [1]} : vector<16xi32> to vector<1xi32>
    %squeeze3A_83 = vector.extract %slice3A_82[0] : i32 from vector<1xi32>
    %add3A_84 = arith.addi %add3A_81, %squeeze3A_83 : i32
    %slice3A_85 = vector.extract_strided_slice %get3A_69 {offsets = [4], sizes = [1], strides = [1]} : vector<16xi32> to vector<1xi32>
    %squeeze3A_86 = vector.extract %slice3A_85[0] : i32 from vector<1xi32>
    %add3A_87 = arith.addi %add3A_84, %squeeze3A_86 : i32
    %slice3A_88 = vector.extract_strided_slice %get3A_69 {offsets = [5], sizes = [1], strides = [1]} : vector<16xi32> to vector<1xi32>
    %squeeze3A_89 = vector.extract %slice3A_88[0] : i32 from vector<1xi32>
    %add3A_90 = arith.addi %add3A_87, %squeeze3A_89 : i32
    %slice3A_91 = vector.extract_strided_slice %get3A_69 {offsets = [6], sizes = [1], strides = [1]} : vector<16xi32> to vector<1xi32>
    %squeeze3A_92 = vector.extract %slice3A_91[0] : i32 from vector<1xi32>
    %add3A_93 = arith.addi %add3A_90, %squeeze3A_92 : i32
    %slice3A_94 = vector.extract_strided_slice %get3A_69 {offsets = [7], sizes = [1], strides = [1]} : vector<16xi32> to vector<1xi32>
    %squeeze3A_95 = vector.extract %slice3A_94[0] : i32 from vector<1xi32>
    %add3A_96 = arith.addi %add3A_93, %squeeze3A_95 : i32
    %slice3A_97 = vector.extract_strided_slice %get3A_69 {offsets = [8], sizes = [1], strides = [1]} : vector<16xi32> to vector<1xi32>
    %squeeze3A_98 = vector.extract %slice3A_97[0] : i32 from vector<1xi32>
    %add3A_99 = arith.addi %add3A_96, %squeeze3A_98 : i32
    %slice3A_100 = vector.extract_strided_slice %get3A_69 {offsets = [9], sizes = [1], strides = [1]} : vector<16xi32> to vector<1xi32>
    %squeeze3A_101 = vector.extract %slice3A_100[0] : i32 from vector<1xi32>
    %add3A_102 = arith.addi %add3A_99, %squeeze3A_101 : i32
    %slice3A_103 = vector.extract_strided_slice %get3A_69 {offsets = [10], sizes = [1], strides = [1]} : vector<16xi32> to vector<1xi32>
    %squeeze3A_104 = vector.extract %slice3A_103[0] : i32 from vector<1xi32>
    %add3A_105 = arith.addi %add3A_102, %squeeze3A_104 : i32
    %slice3A_106 = vector.extract_strided_slice %get3A_69 {offsets = [11], sizes = [1], strides = [1]} : vector<16xi32> to vector<1xi32>
    %squeeze3A_107 = vector.extract %slice3A_106[0] : i32 from vector<1xi32>
    %add3A_108 = arith.addi %add3A_105, %squeeze3A_107 : i32
    %slice3A_109 = vector.extract_strided_slice %get3A_69 {offsets = [12], sizes = [1], strides = [1]} : vector<16xi32> to vector<1xi32>
    %squeeze3A_110 = vector.extract %slice3A_109[0] : i32 from vector<1xi32>
    %add3A_111 = arith.addi %add3A_108, %squeeze3A_110 : i32
    %slice3A_112 = vector.extract_strided_slice %get3A_69 {offsets = [13], sizes = [1], strides = [1]} : vector<16xi32> to vector<1xi32>
    %squeeze3A_113 = vector.extract %slice3A_112[0] : i32 from vector<1xi32>
    %add3A_114 = arith.addi %add3A_111, %squeeze3A_113 : i32
    %slice3A_115 = vector.extract_strided_slice %get3A_69 {offsets = [14], sizes = [1], strides = [1]} : vector<16xi32> to vector<1xi32>
    %squeeze3A_116 = vector.extract %slice3A_115[0] : i32 from vector<1xi32>
    %add3A_117 = arith.addi %add3A_114, %squeeze3A_116 : i32
    %slice3A_118 = vector.extract_strided_slice %get3A_69 {offsets = [15], sizes = [1], strides = [1]} : vector<16xi32> to vector<1xi32>
    %squeeze3A_119 = vector.extract %slice3A_118[0] : i32 from vector<1xi32>
    %add3A_120 = arith.addi %add3A_117, %squeeze3A_119 : i32
    %scan3A_121 = arith.constant 0 : i32
    %scan3A_122 = arith.constant 0 : i32
    %scan3A_123 = arith.constant 32 : i32
    %scan3A_124 = arith.addi %scan3A_122, %scan3A_123 : i32
    %scan3A_125 = arith.constant 1 : i32
    %scan3A_126 = scf.for %scan3A_158 = %scan3A_122 to %scan3A_124 step %scan3A_125 iter_args(%scan3A_159 = %scan3A_121) -> (i32)  : i32 {
      %mul3A_160 = arith.constant 16 : i32
      %mul3A_161 = arith.muli %scan3A_158, %mul3A_160 : i32
      %add3A_162 = arith.addi %mul3A_2, %mul3A_161 : i32
      %iota3A = tpu.iota {dimensions = array<i32: 0>} : vector<16xi32>
      %add3A_163 = vector.broadcast %add3A_162 : i32 to vector<16xi32>
      %add3A_164 = arith.addi %add3A_163, %iota3A : vector<16xi32>
      %broadcast_in_dim3A_165 = arith.constant 0 : i32
      %broadcast_in_dim3A_166 = vector.broadcast %broadcast_in_dim3A_165 : i32 to vector<16xi32>
      %le3A = vector.broadcast %add3A_75 : i32 to vector<16xi32>
      %le3A_167 = arith.cmpi sle, %le3A, %add3A_164 : vector<16xi32>
      %jit3A_168 = arith.constant 1 : i32
      %jit3A_169 = arith.constant 0 : i32
      %broadcast_in_dim3A_170 = vector.broadcast %jit3A_168 : i32 to vector<16xi32>
      %broadcast_in_dim3A_171 = vector.broadcast %jit3A_169 : i32 to vector<16xi32>
      %select_n3A_172 = arith.select %le3A_167, %broadcast_in_dim3A_170, %broadcast_in_dim3A_171 : vector<16xi1>, vector<16xi32>
      %add3A_173 = arith.addi %broadcast_in_dim3A_166, %select_n3A_172 : vector<16xi32>
      %le3A_174 = vector.broadcast %add3A_78 : i32 to vector<16xi32>
      %le3A_175 = arith.cmpi sle, %le3A_174, %add3A_164 : vector<16xi32>
      %jit3A_176 = arith.constant 1 : i32
      %jit3A_177 = arith.constant 0 : i32
      %broadcast_in_dim3A_178 = vector.broadcast %jit3A_176 : i32 to vector<16xi32>
      %broadcast_in_dim3A_179 = vector.broadcast %jit3A_177 : i32 to vector<16xi32>
      %select_n3A_180 = arith.select %le3A_175, %broadcast_in_dim3A_178, %broadcast_in_dim3A_179 : vector<16xi1>, vector<16xi32>
      %add3A_181 = arith.addi %add3A_173, %select_n3A_180 : vector<16xi32>
      %le3A_182 = vector.broadcast %add3A_81 : i32 to vector<16xi32>
      %le3A_183 = arith.cmpi sle, %le3A_182, %add3A_164 : vector<16xi32>
      %jit3A_184 = arith.constant 1 : i32
      %jit3A_185 = arith.constant 0 : i32
      %broadcast_in_dim3A_186 = vector.broadcast %jit3A_184 : i32 to vector<16xi32>
      %broadcast_in_dim3A_187 = vector.broadcast %jit3A_185 : i32 to vector<16xi32>
      %select_n3A_188 = arith.select %le3A_183, %broadcast_in_dim3A_186, %broadcast_in_dim3A_187 : vector<16xi1>, vector<16xi32>
      %add3A_189 = arith.addi %add3A_181, %select_n3A_188 : vector<16xi32>
      %le3A_190 = vector.broadcast %add3A_84 : i32 to vector<16xi32>
      %le3A_191 = arith.cmpi sle, %le3A_190, %add3A_164 : vector<16xi32>
      %jit3A_192 = arith.constant 1 : i32
      %jit3A_193 = arith.constant 0 : i32
      %broadcast_in_dim3A_194 = vector.broadcast %jit3A_192 : i32 to vector<16xi32>
      %broadcast_in_dim3A_195 = vector.broadcast %jit3A_193 : i32 to vector<16xi32>
      %select_n3A_196 = arith.select %le3A_191, %broadcast_in_dim3A_194, %broadcast_in_dim3A_195 : vector<16xi1>, vector<16xi32>
      %add3A_197 = arith.addi %add3A_189, %select_n3A_196 : vector<16xi32>
      %le3A_198 = vector.broadcast %add3A_87 : i32 to vector<16xi32>
      %le3A_199 = arith.cmpi sle, %le3A_198, %add3A_164 : vector<16xi32>
      %jit3A_200 = arith.constant 1 : i32
      %jit3A_201 = arith.constant 0 : i32
      %broadcast_in_dim3A_202 = vector.broadcast %jit3A_200 : i32 to vector<16xi32>
      %broadcast_in_dim3A_203 = vector.broadcast %jit3A_201 : i32 to vector<16xi32>
      %select_n3A_204 = arith.select %le3A_199, %broadcast_in_dim3A_202, %broadcast_in_dim3A_203 : vector<16xi1>, vector<16xi32>
      %add3A_205 = arith.addi %add3A_197, %select_n3A_204 : vector<16xi32>
      %le3A_206 = vector.broadcast %add3A_90 : i32 to vector<16xi32>
      %le3A_207 = arith.cmpi sle, %le3A_206, %add3A_164 : vector<16xi32>
      %jit3A_208 = arith.constant 1 : i32
      %jit3A_209 = arith.constant 0 : i32
      %broadcast_in_dim3A_210 = vector.broadcast %jit3A_208 : i32 to vector<16xi32>
      %broadcast_in_dim3A_211 = vector.broadcast %jit3A_209 : i32 to vector<16xi32>
      %select_n3A_212 = arith.select %le3A_207, %broadcast_in_dim3A_210, %broadcast_in_dim3A_211 : vector<16xi1>, vector<16xi32>
      %add3A_213 = arith.addi %add3A_205, %select_n3A_212 : vector<16xi32>
      %le3A_214 = vector.broadcast %add3A_93 : i32 to vector<16xi32>
      %le3A_215 = arith.cmpi sle, %le3A_214, %add3A_164 : vector<16xi32>
      %jit3A_216 = arith.constant 1 : i32
      %jit3A_217 = arith.constant 0 : i32
      %broadcast_in_dim3A_218 = vector.broadcast %jit3A_216 : i32 to vector<16xi32>
      %broadcast_in_dim3A_219 = vector.broadcast %jit3A_217 : i32 to vector<16xi32>
      %select_n3A_220 = arith.select %le3A_215, %broadcast_in_dim3A_218, %broadcast_in_dim3A_219 : vector<16xi1>, vector<16xi32>
      %add3A_221 = arith.addi %add3A_213, %select_n3A_220 : vector<16xi32>
      %le3A_222 = vector.broadcast %add3A_96 : i32 to vector<16xi32>
      %le3A_223 = arith.cmpi sle, %le3A_222, %add3A_164 : vector<16xi32>
      %jit3A_224 = arith.constant 1 : i32
      %jit3A_225 = arith.constant 0 : i32
      %broadcast_in_dim3A_226 = vector.broadcast %jit3A_224 : i32 to vector<16xi32>
      %broadcast_in_dim3A_227 = vector.broadcast %jit3A_225 : i32 to vector<16xi32>
      %select_n3A_228 = arith.select %le3A_223, %broadcast_in_dim3A_226, %broadcast_in_dim3A_227 : vector<16xi1>, vector<16xi32>
      %add3A_229 = arith.addi %add3A_221, %select_n3A_228 : vector<16xi32>
      %le3A_230 = vector.broadcast %add3A_99 : i32 to vector<16xi32>
      %le3A_231 = arith.cmpi sle, %le3A_230, %add3A_164 : vector<16xi32>
      %jit3A_232 = arith.constant 1 : i32
      %jit3A_233 = arith.constant 0 : i32
      %broadcast_in_dim3A_234 = vector.broadcast %jit3A_232 : i32 to vector<16xi32>
      %broadcast_in_dim3A_235 = vector.broadcast %jit3A_233 : i32 to vector<16xi32>
      %select_n3A_236 = arith.select %le3A_231, %broadcast_in_dim3A_234, %broadcast_in_dim3A_235 : vector<16xi1>, vector<16xi32>
      %add3A_237 = arith.addi %add3A_229, %select_n3A_236 : vector<16xi32>
      %le3A_238 = vector.broadcast %add3A_102 : i32 to vector<16xi32>
      %le3A_239 = arith.cmpi sle, %le3A_238, %add3A_164 : vector<16xi32>
      %jit3A_240 = arith.constant 1 : i32
      %jit3A_241 = arith.constant 0 : i32
      %broadcast_in_dim3A_242 = vector.broadcast %jit3A_240 : i32 to vector<16xi32>
      %broadcast_in_dim3A_243 = vector.broadcast %jit3A_241 : i32 to vector<16xi32>
      %select_n3A_244 = arith.select %le3A_239, %broadcast_in_dim3A_242, %broadcast_in_dim3A_243 : vector<16xi1>, vector<16xi32>
      %add3A_245 = arith.addi %add3A_237, %select_n3A_244 : vector<16xi32>
      %le3A_246 = vector.broadcast %add3A_105 : i32 to vector<16xi32>
      %le3A_247 = arith.cmpi sle, %le3A_246, %add3A_164 : vector<16xi32>
      %jit3A_248 = arith.constant 1 : i32
      %jit3A_249 = arith.constant 0 : i32
      %broadcast_in_dim3A_250 = vector.broadcast %jit3A_248 : i32 to vector<16xi32>
      %broadcast_in_dim3A_251 = vector.broadcast %jit3A_249 : i32 to vector<16xi32>
      %select_n3A_252 = arith.select %le3A_247, %broadcast_in_dim3A_250, %broadcast_in_dim3A_251 : vector<16xi1>, vector<16xi32>
      %add3A_253 = arith.addi %add3A_245, %select_n3A_252 : vector<16xi32>
      %le3A_254 = vector.broadcast %add3A_108 : i32 to vector<16xi32>
      %le3A_255 = arith.cmpi sle, %le3A_254, %add3A_164 : vector<16xi32>
      %jit3A_256 = arith.constant 1 : i32
      %jit3A_257 = arith.constant 0 : i32
      %broadcast_in_dim3A_258 = vector.broadcast %jit3A_256 : i32 to vector<16xi32>
      %broadcast_in_dim3A_259 = vector.broadcast %jit3A_257 : i32 to vector<16xi32>
      %select_n3A_260 = arith.select %le3A_255, %broadcast_in_dim3A_258, %broadcast_in_dim3A_259 : vector<16xi1>, vector<16xi32>
      %add3A_261 = arith.addi %add3A_253, %select_n3A_260 : vector<16xi32>
      %le3A_262 = vector.broadcast %add3A_111 : i32 to vector<16xi32>
      %le3A_263 = arith.cmpi sle, %le3A_262, %add3A_164 : vector<16xi32>
      %jit3A_264 = arith.constant 1 : i32
      %jit3A_265 = arith.constant 0 : i32
      %broadcast_in_dim3A_266 = vector.broadcast %jit3A_264 : i32 to vector<16xi32>
      %broadcast_in_dim3A_267 = vector.broadcast %jit3A_265 : i32 to vector<16xi32>
      %select_n3A_268 = arith.select %le3A_263, %broadcast_in_dim3A_266, %broadcast_in_dim3A_267 : vector<16xi1>, vector<16xi32>
      %add3A_269 = arith.addi %add3A_261, %select_n3A_268 : vector<16xi32>
      %le3A_270 = vector.broadcast %add3A_114 : i32 to vector<16xi32>
      %le3A_271 = arith.cmpi sle, %le3A_270, %add3A_164 : vector<16xi32>
      %jit3A_272 = arith.constant 1 : i32
      %jit3A_273 = arith.constant 0 : i32
      %broadcast_in_dim3A_274 = vector.broadcast %jit3A_272 : i32 to vector<16xi32>
      %broadcast_in_dim3A_275 = vector.broadcast %jit3A_273 : i32 to vector<16xi32>
      %select_n3A_276 = arith.select %le3A_271, %broadcast_in_dim3A_274, %broadcast_in_dim3A_275 : vector<16xi1>, vector<16xi32>
      %add3A_277 = arith.addi %add3A_269, %select_n3A_276 : vector<16xi32>
      %le3A_278 = vector.broadcast %add3A_117 : i32 to vector<16xi32>
      %le3A_279 = arith.cmpi sle, %le3A_278, %add3A_164 : vector<16xi32>
      %jit3A_280 = arith.constant 1 : i32
      %jit3A_281 = arith.constant 0 : i32
      %broadcast_in_dim3A_282 = vector.broadcast %jit3A_280 : i32 to vector<16xi32>
      %broadcast_in_dim3A_283 = vector.broadcast %jit3A_281 : i32 to vector<16xi32>
      %select_n3A_284 = arith.select %le3A_279, %broadcast_in_dim3A_282, %broadcast_in_dim3A_283 : vector<16xi1>, vector<16xi32>
      %add3A_285 = arith.addi %add3A_277, %select_n3A_284 : vector<16xi32>
      %le3A_286 = vector.broadcast %add3A_120 : i32 to vector<16xi32>
      %le3A_287 = arith.cmpi sle, %le3A_286, %add3A_164 : vector<16xi32>
      %jit3A_288 = arith.constant 1 : i32
      %jit3A_289 = arith.constant 0 : i32
      %broadcast_in_dim3A_290 = vector.broadcast %jit3A_288 : i32 to vector<16xi32>
      %broadcast_in_dim3A_291 = vector.broadcast %jit3A_289 : i32 to vector<16xi32>
      %select_n3A_292 = arith.select %le3A_287, %broadcast_in_dim3A_290, %broadcast_in_dim3A_291 : vector<16xi1>, vector<16xi32>
      %add3A_293 = arith.addi %add3A_285, %select_n3A_292 : vector<16xi32>
      %broadcast_in_dim3A_294 = arith.constant 1.000000e+00 : f32
      %broadcast_in_dim3A_295 = vector.broadcast %broadcast_in_dim3A_294 : f32 to vector<16xf32>
      %eq3A = arith.constant 0 : i32
      %eq3A_296 = vector.broadcast %eq3A : i32 to vector<16xi32>
      %eq3A_297 = arith.cmpi eq, %add3A_293, %eq3A_296 : vector<16xi32>
      %slice3A_298 = vector.extract_strided_slice %select_n3A {offsets = [0], sizes = [1], strides = [1]} : vector<16xf32> to vector<1xf32>
      %squeeze3A_299 = vector.extract %slice3A_298[0] : f32 from vector<1xf32>
      %broadcast_in_dim3A_300 = vector.broadcast %squeeze3A_299 : f32 to vector<16xf32>
      %select_n3A_301 = arith.select %eq3A_297, %broadcast_in_dim3A_300, %broadcast_in_dim3A_295 : vector<16xi1>, vector<16xf32>
      %eq3A_302 = arith.constant 1 : i32
      %eq3A_303 = vector.broadcast %eq3A_302 : i32 to vector<16xi32>
      %eq3A_304 = arith.cmpi eq, %add3A_293, %eq3A_303 : vector<16xi32>
      %slice3A_305 = vector.extract_strided_slice %select_n3A {offsets = [1], sizes = [1], strides = [1]} : vector<16xf32> to vector<1xf32>
      %squeeze3A_306 = vector.extract %slice3A_305[0] : f32 from vector<1xf32>
      %broadcast_in_dim3A_307 = vector.broadcast %squeeze3A_306 : f32 to vector<16xf32>
      %select_n3A_308 = arith.select %eq3A_304, %broadcast_in_dim3A_307, %select_n3A_301 : vector<16xi1>, vector<16xf32>
      %eq3A_309 = arith.constant 2 : i32
      %eq3A_310 = vector.broadcast %eq3A_309 : i32 to vector<16xi32>
      %eq3A_311 = arith.cmpi eq, %add3A_293, %eq3A_310 : vector<16xi32>
      %slice3A_312 = vector.extract_strided_slice %select_n3A {offsets = [2], sizes = [1], strides = [1]} : vector<16xf32> to vector<1xf32>
      %squeeze3A_313 = vector.extract %slice3A_312[0] : f32 from vector<1xf32>
      %broadcast_in_dim3A_314 = vector.broadcast %squeeze3A_313 : f32 to vector<16xf32>
      %select_n3A_315 = arith.select %eq3A_311, %broadcast_in_dim3A_314, %select_n3A_308 : vector<16xi1>, vector<16xf32>
      %eq3A_316 = arith.constant 3 : i32
      %eq3A_317 = vector.broadcast %eq3A_316 : i32 to vector<16xi32>
      %eq3A_318 = arith.cmpi eq, %add3A_293, %eq3A_317 : vector<16xi32>
      %slice3A_319 = vector.extract_strided_slice %select_n3A {offsets = [3], sizes = [1], strides = [1]} : vector<16xf32> to vector<1xf32>
      %squeeze3A_320 = vector.extract %slice3A_319[0] : f32 from vector<1xf32>
      %broadcast_in_dim3A_321 = vector.broadcast %squeeze3A_320 : f32 to vector<16xf32>
      %select_n3A_322 = arith.select %eq3A_318, %broadcast_in_dim3A_321, %select_n3A_315 : vector<16xi1>, vector<16xf32>
      %eq3A_323 = arith.constant 4 : i32
      %eq3A_324 = vector.broadcast %eq3A_323 : i32 to vector<16xi32>
      %eq3A_325 = arith.cmpi eq, %add3A_293, %eq3A_324 : vector<16xi32>
      %slice3A_326 = vector.extract_strided_slice %select_n3A {offsets = [4], sizes = [1], strides = [1]} : vector<16xf32> to vector<1xf32>
      %squeeze3A_327 = vector.extract %slice3A_326[0] : f32 from vector<1xf32>
      %broadcast_in_dim3A_328 = vector.broadcast %squeeze3A_327 : f32 to vector<16xf32>
      %select_n3A_329 = arith.select %eq3A_325, %broadcast_in_dim3A_328, %select_n3A_322 : vector<16xi1>, vector<16xf32>
      %eq3A_330 = arith.constant 5 : i32
      %eq3A_331 = vector.broadcast %eq3A_330 : i32 to vector<16xi32>
      %eq3A_332 = arith.cmpi eq, %add3A_293, %eq3A_331 : vector<16xi32>
      %slice3A_333 = vector.extract_strided_slice %select_n3A {offsets = [5], sizes = [1], strides = [1]} : vector<16xf32> to vector<1xf32>
      %squeeze3A_334 = vector.extract %slice3A_333[0] : f32 from vector<1xf32>
      %broadcast_in_dim3A_335 = vector.broadcast %squeeze3A_334 : f32 to vector<16xf32>
      %select_n3A_336 = arith.select %eq3A_332, %broadcast_in_dim3A_335, %select_n3A_329 : vector<16xi1>, vector<16xf32>
      %eq3A_337 = arith.constant 6 : i32
      %eq3A_338 = vector.broadcast %eq3A_337 : i32 to vector<16xi32>
      %eq3A_339 = arith.cmpi eq, %add3A_293, %eq3A_338 : vector<16xi32>
      %slice3A_340 = vector.extract_strided_slice %select_n3A {offsets = [6], sizes = [1], strides = [1]} : vector<16xf32> to vector<1xf32>
      %squeeze3A_341 = vector.extract %slice3A_340[0] : f32 from vector<1xf32>
      %broadcast_in_dim3A_342 = vector.broadcast %squeeze3A_341 : f32 to vector<16xf32>
      %select_n3A_343 = arith.select %eq3A_339, %broadcast_in_dim3A_342, %select_n3A_336 : vector<16xi1>, vector<16xf32>
      %eq3A_344 = arith.constant 7 : i32
      %eq3A_345 = vector.broadcast %eq3A_344 : i32 to vector<16xi32>
      %eq3A_346 = arith.cmpi eq, %add3A_293, %eq3A_345 : vector<16xi32>
      %slice3A_347 = vector.extract_strided_slice %select_n3A {offsets = [7], sizes = [1], strides = [1]} : vector<16xf32> to vector<1xf32>
      %squeeze3A_348 = vector.extract %slice3A_347[0] : f32 from vector<1xf32>
      %broadcast_in_dim3A_349 = vector.broadcast %squeeze3A_348 : f32 to vector<16xf32>
      %select_n3A_350 = arith.select %eq3A_346, %broadcast_in_dim3A_349, %select_n3A_343 : vector<16xi1>, vector<16xf32>
      %eq3A_351 = arith.constant 8 : i32
      %eq3A_352 = vector.broadcast %eq3A_351 : i32 to vector<16xi32>
      %eq3A_353 = arith.cmpi eq, %add3A_293, %eq3A_352 : vector<16xi32>
      %slice3A_354 = vector.extract_strided_slice %select_n3A {offsets = [8], sizes = [1], strides = [1]} : vector<16xf32> to vector<1xf32>
      %squeeze3A_355 = vector.extract %slice3A_354[0] : f32 from vector<1xf32>
      %broadcast_in_dim3A_356 = vector.broadcast %squeeze3A_355 : f32 to vector<16xf32>
      %select_n3A_357 = arith.select %eq3A_353, %broadcast_in_dim3A_356, %select_n3A_350 : vector<16xi1>, vector<16xf32>
      %eq3A_358 = arith.constant 9 : i32
      %eq3A_359 = vector.broadcast %eq3A_358 : i32 to vector<16xi32>
      %eq3A_360 = arith.cmpi eq, %add3A_293, %eq3A_359 : vector<16xi32>
      %slice3A_361 = vector.extract_strided_slice %select_n3A {offsets = [9], sizes = [1], strides = [1]} : vector<16xf32> to vector<1xf32>
      %squeeze3A_362 = vector.extract %slice3A_361[0] : f32 from vector<1xf32>
      %broadcast_in_dim3A_363 = vector.broadcast %squeeze3A_362 : f32 to vector<16xf32>
      %select_n3A_364 = arith.select %eq3A_360, %broadcast_in_dim3A_363, %select_n3A_357 : vector<16xi1>, vector<16xf32>
      %eq3A_365 = arith.constant 10 : i32
      %eq3A_366 = vector.broadcast %eq3A_365 : i32 to vector<16xi32>
      %eq3A_367 = arith.cmpi eq, %add3A_293, %eq3A_366 : vector<16xi32>
      %slice3A_368 = vector.extract_strided_slice %select_n3A {offsets = [10], sizes = [1], strides = [1]} : vector<16xf32> to vector<1xf32>
      %squeeze3A_369 = vector.extract %slice3A_368[0] : f32 from vector<1xf32>
      %broadcast_in_dim3A_370 = vector.broadcast %squeeze3A_369 : f32 to vector<16xf32>
      %select_n3A_371 = arith.select %eq3A_367, %broadcast_in_dim3A_370, %select_n3A_364 : vector<16xi1>, vector<16xf32>
      %eq3A_372 = arith.constant 11 : i32
      %eq3A_373 = vector.broadcast %eq3A_372 : i32 to vector<16xi32>
      %eq3A_374 = arith.cmpi eq, %add3A_293, %eq3A_373 : vector<16xi32>
      %slice3A_375 = vector.extract_strided_slice %select_n3A {offsets = [11], sizes = [1], strides = [1]} : vector<16xf32> to vector<1xf32>
      %squeeze3A_376 = vector.extract %slice3A_375[0] : f32 from vector<1xf32>
      %broadcast_in_dim3A_377 = vector.broadcast %squeeze3A_376 : f32 to vector<16xf32>
      %select_n3A_378 = arith.select %eq3A_374, %broadcast_in_dim3A_377, %select_n3A_371 : vector<16xi1>, vector<16xf32>
      %eq3A_379 = arith.constant 12 : i32
      %eq3A_380 = vector.broadcast %eq3A_379 : i32 to vector<16xi32>
      %eq3A_381 = arith.cmpi eq, %add3A_293, %eq3A_380 : vector<16xi32>
      %slice3A_382 = vector.extract_strided_slice %select_n3A {offsets = [12], sizes = [1], strides = [1]} : vector<16xf32> to vector<1xf32>
      %squeeze3A_383 = vector.extract %slice3A_382[0] : f32 from vector<1xf32>
      %broadcast_in_dim3A_384 = vector.broadcast %squeeze3A_383 : f32 to vector<16xf32>
      %select_n3A_385 = arith.select %eq3A_381, %broadcast_in_dim3A_384, %select_n3A_378 : vector<16xi1>, vector<16xf32>
      %eq3A_386 = arith.constant 13 : i32
      %eq3A_387 = vector.broadcast %eq3A_386 : i32 to vector<16xi32>
      %eq3A_388 = arith.cmpi eq, %add3A_293, %eq3A_387 : vector<16xi32>
      %slice3A_389 = vector.extract_strided_slice %select_n3A {offsets = [13], sizes = [1], strides = [1]} : vector<16xf32> to vector<1xf32>
      %squeeze3A_390 = vector.extract %slice3A_389[0] : f32 from vector<1xf32>
      %broadcast_in_dim3A_391 = vector.broadcast %squeeze3A_390 : f32 to vector<16xf32>
      %select_n3A_392 = arith.select %eq3A_388, %broadcast_in_dim3A_391, %select_n3A_385 : vector<16xi1>, vector<16xf32>
      %eq3A_393 = arith.constant 14 : i32
      %eq3A_394 = vector.broadcast %eq3A_393 : i32 to vector<16xi32>
      %eq3A_395 = arith.cmpi eq, %add3A_293, %eq3A_394 : vector<16xi32>
      %slice3A_396 = vector.extract_strided_slice %select_n3A {offsets = [14], sizes = [1], strides = [1]} : vector<16xf32> to vector<1xf32>
      %squeeze3A_397 = vector.extract %slice3A_396[0] : f32 from vector<1xf32>
      %broadcast_in_dim3A_398 = vector.broadcast %squeeze3A_397 : f32 to vector<16xf32>
      %select_n3A_399 = arith.select %eq3A_395, %broadcast_in_dim3A_398, %select_n3A_392 : vector<16xi1>, vector<16xf32>
      %eq3A_400 = arith.constant 15 : i32
      %eq3A_401 = vector.broadcast %eq3A_400 : i32 to vector<16xi32>
      %eq3A_402 = arith.cmpi eq, %add3A_293, %eq3A_401 : vector<16xi32>
      %slice3A_403 = vector.extract_strided_slice %select_n3A {offsets = [15], sizes = [1], strides = [1]} : vector<16xf32> to vector<1xf32>
      %squeeze3A_404 = vector.extract %slice3A_403[0] : f32 from vector<1xf32>
      %broadcast_in_dim3A_405 = vector.broadcast %squeeze3A_404 : f32 to vector<16xf32>
      %select_n3A_406 = arith.select %eq3A_402, %broadcast_in_dim3A_405, %select_n3A_399 : vector<16xi1>, vector<16xf32>
      %mul3A_407 = arith.constant 16 : i32
      %mul3A_408 = arith.muli %scan3A_158, %mul3A_407 : i32
      %swap3A = arith.index_cast %mul3A_408 : i32 to index
      %swap3A_409 = tpu.vector_load %arg9[%swap3A] {strides = array<i32>} : memref<528xi32, #tpu.memory_space<vmem>>, vector<16xi32>,
      %swap3A_410 = vector.shape_cast %swap3A_409 : vector<16xi32> to vector<16xi32>
      %swap3A_411 = vector.shape_cast %add3A_293 : vector<16xi32> to vector<16xi32>
      tpu.vector_store %arg9[%swap3A], %swap3A_411 {strides = array<i32>} : memref<528xi32, #tpu.memory_space<vmem>>, vector<16xi32>,
      %mul3A_412 = arith.constant 16 : i32
      %mul3A_413 = arith.muli %scan3A_158, %mul3A_412 : i32
      %swap3A_414 = arith.index_cast %mul3A_413 : i32 to index
      %swap3A_415 = tpu.vector_load %arg10[%swap3A_414] {strides = array<i32>} : memref<528xf32, #tpu.memory_space<vmem>>, vector<16xf32>,
      %swap3A_416 = vector.shape_cast %swap3A_415 : vector<16xf32> to vector<16xf32>
      %swap3A_417 = vector.shape_cast %select_n3A_406 : vector<16xf32> to vector<16xf32>
      tpu.vector_store %arg10[%swap3A_414], %swap3A_417 {strides = array<i32>} : memref<528xf32, #tpu.memory_space<vmem>>, vector<16xf32>,
      %scan3A_418 = arith.constant 0 : i32
      scf.yield %scan3A_418 : i32
    }
    %scan3A_127 = arith.constant 32 : i32
    %dma_wait3A = arith.constant 0 : i32
    %dma_wait3A_128 = arith.constant 0 : i32
    %dma_wait3A_129 = tpu.memref_slice %arg6[%dma_wait3A, %dma_wait3A_128] : memref<17x2048xf32, #tpu.memory_space<vmem>> -> memref<16x2048xf32, #tpu.memory_space<vmem>>
    %dma_wait3A_130 = arith.constant 0 : i32
    %dma_wait3A_131 = arith.constant 0 : i32
    %dma_wait3A_132 = tpu.memref_slice %arg6[%dma_wait3A_130, %dma_wait3A_131] : memref<17x2048xf32, #tpu.memory_space<vmem>> -> memref<16x2048xf32, #tpu.memory_space<vmem>>
    tpu.wait_dma2 semaphore(%arg13 : memref<!tpu.dma_semaphore, #tpu.memory_space<semaphore_mem>>) src(%arg4 : memref<16x2048xf32, #tpu.memory_space<hbm>>) dst(%dma_wait3A_132 : memref<16x2048xf32, #tpu.memory_space<vmem>>)
    %scan3A_133 = arith.constant 0 : i32
    %scan3A_134 = arith.constant 0 : i32
    %scan3A_135 = arith.constant 16 : i32
    %scan3A_136 = arith.addi %scan3A_134, %scan3A_135 : i32
    %scan3A_137 = arith.constant 1 : i32
    %scan3A_138 = scf.for %scan3A_158 = %scan3A_134 to %scan3A_136 step %scan3A_137 iter_args(%scan3A_159 = %scan3A_133) -> (i32)  : i32 {
      %mul3A_160 = arith.constant 4 : i32
      %mul3A_161 = arith.muli %scan3A_158, %mul3A_160 : i32
      %add3A_162 = arith.constant 0 : i32
      %add3A_163 = arith.addi %mul3A_161, %add3A_162 : i32
      %mul3A_164 = arith.constant 8 : i32
      %mul3A_165 = arith.muli %add3A_163, %mul3A_164 : i32
      %add3A_166 = arith.addi %mul3A_2, %mul3A_165 : i32
      %dma_wait3A_167 = arith.constant 0 : i32
      %dma_wait3A_168 = arith.constant 0 : i32
      %dma_wait3A_169 = arith.constant 0 : i32
      %dma_wait3A_170 = arith.constant 0 : i32
      %dma_wait3A_171 = tpu.memref_slice %arg7[%dma_wait3A_167, %dma_wait3A_169, %dma_wait3A_170] : memref<4x8x2048xf32, #tpu.memory_space<vmem>> -> memref<1x8x2048xf32, #tpu.memory_space<vmem>>
      %dma_wait3A_172 = tpu.memref_squeeze %dma_wait3A_171 : memref<1x8x2048xf32, #tpu.memory_space<vmem>> -> memref<8x2048xf32, #tpu.memory_space<vmem>>
      %dma_wait3A_173 = arith.constant 0 : i32
      %dma_wait3A_174 = tpu.memref_slice %arg3[%add3A_166, %dma_wait3A_173] : memref<16384x2048xf32, #tpu.memory_space<hbm>> -> memref<8x2048xf32, #tpu.memory_space<hbm>>
      %dma_wait3A_175 = tpu.memref_slice %arg11[%dma_wait3A_168] : memref<4x!tpu.dma_semaphore, #tpu.memory_space<semaphore_mem>> -> memref<1x!tpu.dma_semaphore, #tpu.memory_space<semaphore_mem>>
      %dma_wait3A_176 = tpu.memref_squeeze %dma_wait3A_175 : memref<1x!tpu.dma_semaphore, #tpu.memory_space<semaphore_mem>> -> memref<!tpu.dma_semaphore, #tpu.memory_space<semaphore_mem>>
      %dma_wait3A_177 = arith.constant 0 : i32
      %dma_wait3A_178 = arith.constant 0 : i32
      %dma_wait3A_179 = tpu.memref_slice %arg7[%dma_wait3A_167, %dma_wait3A_177, %dma_wait3A_178] : memref<4x8x2048xf32, #tpu.memory_space<vmem>> -> memref<1x8x2048xf32, #tpu.memory_space<vmem>>
      %dma_wait3A_180 = tpu.memref_squeeze %dma_wait3A_179 : memref<1x8x2048xf32, #tpu.memory_space<vmem>> -> memref<8x2048xf32, #tpu.memory_space<vmem>>
      %dma_wait3A_181 = arith.constant 0 : i32
      %dma_wait3A_182 = tpu.memref_slice %arg3[%add3A_166, %dma_wait3A_181] : memref<16384x2048xf32, #tpu.memory_space<hbm>> -> memref<8x2048xf32, #tpu.memory_space<hbm>>
      tpu.wait_dma2 semaphore(%dma_wait3A_176 : memref<!tpu.dma_semaphore, #tpu.memory_space<semaphore_mem>>) src(%dma_wait3A_182 : memref<8x2048xf32, #tpu.memory_space<hbm>>) dst(%dma_wait3A_180 : memref<8x2048xf32, #tpu.memory_space<vmem>>)
      %parallel_loop3A = arith.constant 0 : i32
      %parallel_loop3A_183 = arith.constant 8 : i32
      %parallel_loop3A_184 = arith.constant 1 : i32
      scf.for %parallel_loop3A_392 = %parallel_loop3A to %parallel_loop3A_183 step %parallel_loop3A_184  : i32 {
        %parallel_loop3A_393 = arith.constant 8 : i32
        %parallel_loop3A_394 = arith.muli %add3A_163, %parallel_loop3A_393 : i32
        %parallel_loop3A_395 = arith.addi %parallel_loop3A_394, %parallel_loop3A_392 : i32
        %parallel_loop3A_396 = arith.index_cast %parallel_loop3A_395 : i32 to index
        %parallel_loop3A_397 = tpu.vector_load %arg9[%parallel_loop3A_396] {strides = array<i32>} : memref<528xi32, #tpu.memory_space<vmem>>, vector<16xi32>,
        %parallel_loop3A_398 = vector.shape_cast %parallel_loop3A_397 : vector<16xi32> to vector<16xi32>
        %parallel_loop3A_399 = vector.extract_strided_slice %parallel_loop3A_398 {offsets = [0], sizes = [1], strides = [1]} : vector<16xi32> to vector<1xi32>
        %parallel_loop3A_400 = vector.extract %parallel_loop3A_399[0] : i32 from vector<1xi32>
        %parallel_loop3A_401 = arith.index_cast %parallel_loop3A_395 : i32 to index
        %parallel_loop3A_402 = tpu.vector_load %arg10[%parallel_loop3A_401] {strides = array<i32>} : memref<528xf32, #tpu.memory_space<vmem>>, vector<16xf32>,
        %parallel_loop3A_403 = vector.shape_cast %parallel_loop3A_402 : vector<16xf32> to vector<16xf32>
        %parallel_loop3A_404 = vector.extract_strided_slice %parallel_loop3A_403 {offsets = [0], sizes = [1], strides = [1]} : vector<16xf32> to vector<1xf32>
        %parallel_loop3A_405 = vector.extract %parallel_loop3A_404[0] : f32 from vector<1xf32>
        %parallel_loop3A_406 = arith.constant 0 : i32
        %parallel_loop3A_407 = arith.constant 128 : i32
        %parallel_loop3A_408 = arith.constant 1 : i32
        scf.for %parallel_loop3A_409 = %parallel_loop3A_406 to %parallel_loop3A_407 step %parallel_loop3A_408  : i32 {
          %parallel_loop3A_410 = arith.constant 16 : i32
          %parallel_loop3A_411 = arith.muli %parallel_loop3A_409, %parallel_loop3A_410 : i32
          %parallel_loop3A_412 = arith.constant 0 : i32
          %parallel_loop3A_413 = arith.index_cast %parallel_loop3A_412 : i32 to index
          %parallel_loop3A_414 = arith.index_cast %parallel_loop3A_392 : i32 to index
          %parallel_loop3A_415 = arith.index_cast %parallel_loop3A_411 : i32 to index
          %parallel_loop3A_416 = tpu.vector_load %arg7[%parallel_loop3A_413, %parallel_loop3A_414, %parallel_loop3A_415] {strides = array<i32>} : memref<4x8x2048xf32, #tpu.memory_space<vmem>>, vector<1x1x16xf32>,
          %parallel_loop3A_417 = vector.shape_cast %parallel_loop3A_416 : vector<1x1x16xf32> to vector<16xf32>
          %parallel_loop3A_418 = vector.broadcast %parallel_loop3A_405 : f32 to vector<16xf32>
          %parallel_loop3A_419 = arith.mulf %parallel_loop3A_417, %parallel_loop3A_418 : vector<16xf32>
          %parallel_loop3A_420 = arith.index_cast %parallel_loop3A_400 : i32 to index
          %parallel_loop3A_421 = arith.index_cast %parallel_loop3A_411 : i32 to index
          %parallel_loop3A_422 = tpu.vector_load %arg6[%parallel_loop3A_420, %parallel_loop3A_421] {strides = array<i32>} : memref<17x2048xf32, #tpu.memory_space<vmem>>, vector<1x16xf32>,
          %parallel_loop3A_423 = vector.shape_cast %parallel_loop3A_422 : vector<1x16xf32> to vector<16xf32>
          %parallel_loop3A_424 = arith.addf %parallel_loop3A_419, %parallel_loop3A_423 : vector<16xf32>
          %parallel_loop3A_425 = arith.constant 0 : i32
          %parallel_loop3A_426 = arith.index_cast %parallel_loop3A_425 : i32 to index
          %parallel_loop3A_427 = arith.index_cast %parallel_loop3A_392 : i32 to index
          %parallel_loop3A_428 = arith.index_cast %parallel_loop3A_411 : i32 to index
          %parallel_loop3A_429 = tpu.vector_load %arg7[%parallel_loop3A_426, %parallel_loop3A_427, %parallel_loop3A_428] {strides = array<i32>} : memref<4x8x2048xf32, #tpu.memory_space<vmem>>, vector<1x1x16xf32>,
          %parallel_loop3A_430 = vector.shape_cast %parallel_loop3A_429 : vector<1x1x16xf32> to vector<16xf32>
          %parallel_loop3A_431 = vector.shape_cast %parallel_loop3A_424 : vector<16xf32> to vector<1x1x16xf32>
          tpu.vector_store %arg7[%parallel_loop3A_426, %parallel_loop3A_427, %parallel_loop3A_428], %parallel_loop3A_431 {strides = array<i32>} : memref<4x8x2048xf32, #tpu.memory_space<vmem>>, vector<1x1x16xf32>,
        } {sc.loop_unroll_factor = 16 : i64, sc.parallel_access}
      } {sc.loop_unroll_factor = 1 : i64, sc.parallel_access}
      %mul3A_185 = arith.constant 8 : i32
      %mul3A_186 = arith.muli %add3A_163, %mul3A_185 : i32
      %add3A_187 = arith.addi %mul3A_2, %mul3A_186 : i32
      %dma_start3A_188 = arith.constant 0 : i32
      %dma_start3A_189 = arith.constant 0 : i32
      %dma_start3A_190 = arith.constant 0 : i32
      %dma_start3A_191 = arith.constant 0 : i32
      %dma_start3A_192 = tpu.memref_slice %arg7[%dma_start3A_188, %dma_start3A_190, %dma_start3A_191] : memref<4x8x2048xf32, #tpu.memory_space<vmem>> -> memref<1x8x2048xf32, #tpu.memory_space<vmem>>
      %dma_start3A_193 = tpu.memref_squeeze %dma_start3A_192 : memref<1x8x2048xf32, #tpu.memory_space<vmem>> -> memref<8x2048xf32, #tpu.memory_space<vmem>>
      %dma_start3A_194 = arith.constant 0 : i32
      %dma_start3A_195 = tpu.memref_slice %arg5[%add3A_187, %dma_start3A_194] : memref<16384x2048xf32, #tpu.memory_space<hbm>> -> memref<8x2048xf32, #tpu.memory_space<hbm>>
      %dma_start3A_196 = tpu.memref_slice %arg12[%dma_start3A_189] : memref<4x!tpu.dma_semaphore, #tpu.memory_space<semaphore_mem>> -> memref<1x!tpu.dma_semaphore, #tpu.memory_space<semaphore_mem>>
      %dma_start3A_197 = tpu.memref_squeeze %dma_start3A_196 : memref<1x!tpu.dma_semaphore, #tpu.memory_space<semaphore_mem>> -> memref<!tpu.dma_semaphore, #tpu.memory_space<semaphore_mem>>
      %dma_start3A_198 = arith.constant 0 : i32
      %dma_start3A_199 = tpu.memref_slice %arg5[%add3A_187, %dma_start3A_198] : memref<16384x2048xf32, #tpu.memory_space<hbm>> -> memref<8x2048xf32, #tpu.memory_space<hbm>>
      %dma_start3A_200 = arith.constant 0 : i32
      %dma_start3A_201 = arith.constant 0 : i32
      %dma_start3A_202 = tpu.memref_slice %arg7[%dma_start3A_188, %dma_start3A_200, %dma_start3A_201] : memref<4x8x2048xf32, #tpu.memory_space<vmem>> -> memref<1x8x2048xf32, #tpu.memory_space<vmem>>
      %dma_start3A_203 = tpu.memref_squeeze %dma_start3A_202 : memref<1x8x2048xf32, #tpu.memory_space<vmem>> -> memref<8x2048xf32, #tpu.memory_space<vmem>>
      tpu.enqueue_dma source(%dma_start3A_203 : memref<8x2048xf32, #tpu.memory_space<vmem>>) target(%dma_start3A_199 : memref<8x2048xf32, #tpu.memory_space<hbm>>) target_semaphore(%dma_start3A_197 : memref<!tpu.dma_semaphore, #tpu.memory_space<semaphore_mem>>)
      %ge3A = arith.constant 1 : i32
      %ge3A_204 = arith.cmpi sge, %add3A_163, %ge3A : i32
      %convert_element_type3A_205 = arith.extui %ge3A_204 : i1 to i32
      %cond3A = arith.constant 0 : i32
      %cond3A_206 = arith.cmpi ne, %convert_element_type3A_205, %cond3A : i32
      scf.if %cond3A_206 {
        %sub3A_392 = arith.constant 1 : i32
        %sub3A_393 = arith.subi %add3A_163, %sub3A_392 : i32
        %mul3A_394 = arith.constant 8 : i32
        %mul3A_395 = arith.muli %sub3A_393, %mul3A_394 : i32
        %add3A_396 = arith.addi %mul3A_2, %mul3A_395 : i32
        %dma_wait3A_397 = arith.constant 3 : i32
        %dma_wait3A_398 = arith.constant 3 : i32
        %dma_wait3A_399 = arith.constant 0 : i32
        %dma_wait3A_400 = arith.constant 0 : i32
        %dma_wait3A_401 = tpu.memref_slice %arg7[%dma_wait3A_397, %dma_wait3A_399, %dma_wait3A_400] : memref<4x8x2048xf32, #tpu.memory_space<vmem>> -> memref<1x8x2048xf32, #tpu.memory_space<vmem>>
        %dma_wait3A_402 = tpu.memref_squeeze %dma_wait3A_401 : memref<1x8x2048xf32, #tpu.memory_space<vmem>> -> memref<8x2048xf32, #tpu.memory_space<vmem>>
        %dma_wait3A_403 = arith.constant 0 : i32
        %dma_wait3A_404 = tpu.memref_slice %arg5[%add3A_396, %dma_wait3A_403] : memref<16384x2048xf32, #tpu.memory_space<hbm>> -> memref<8x2048xf32, #tpu.memory_space<hbm>>
        %dma_wait3A_405 = tpu.memref_slice %arg12[%dma_wait3A_398] : memref<4x!tpu.dma_semaphore, #tpu.memory_space<semaphore_mem>> -> memref<1x!tpu.dma_semaphore, #tpu.memory_space<semaphore_mem>>
        %dma_wait3A_406 = tpu.memref_squeeze %dma_wait3A_405 : memref<1x!tpu.dma_semaphore, #tpu.memory_space<semaphore_mem>> -> memref<!tpu.dma_semaphore, #tpu.memory_space<semaphore_mem>>
        %dma_wait3A_407 = arith.constant 0 : i32
        %dma_wait3A_408 = tpu.memref_slice %arg5[%add3A_396, %dma_wait3A_407] : memref<16384x2048xf32, #tpu.memory_space<hbm>> -> memref<8x2048xf32, #tpu.memory_space<hbm>>
        %dma_wait3A_409 = arith.constant 0 : i32
        %dma_wait3A_410 = arith.constant 0 : i32
        %dma_wait3A_411 = tpu.memref_slice %arg7[%dma_wait3A_397, %dma_wait3A_409, %dma_wait3A_410] : memref<4x8x2048xf32, #tpu.memory_space<vmem>> -> memref<1x8x2048xf32, #tpu.memory_space<vmem>>
        %dma_wait3A_412 = tpu.memref_squeeze %dma_wait3A_411 : memref<1x8x2048xf32, #tpu.memory_space<vmem>> -> memref<8x2048xf32, #tpu.memory_space<vmem>>
        tpu.wait_dma2 semaphore(%dma_wait3A_406 : memref<!tpu.dma_semaphore, #tpu.memory_space<semaphore_mem>>) src(%dma_wait3A_412 : memref<8x2048xf32, #tpu.memory_space<vmem>>) dst(%dma_wait3A_408 : memref<8x2048xf32, #tpu.memory_space<hbm>>)
      } else {
      }
      %add3A_207 = arith.constant 4 : i32
      %add3A_208 = arith.addi %add3A_163, %add3A_207 : i32
      %sub3A = arith.constant 1 : i32
      %sub3A_209 = arith.subi %add3A_208, %sub3A : i32
      %lt3A = arith.constant 64 : i32
      %lt3A_210 = arith.cmpi slt, %sub3A_209, %lt3A : i32
      %convert_element_type3A_211 = arith.extui %lt3A_210 : i1 to i32
      %cond3A_212 = arith.constant 0 : i32
      %cond3A_213 = arith.cmpi ne, %convert_element_type3A_211, %cond3A_212 : i32
      scf.if %cond3A_213 {
        %add3A_392 = arith.constant 4 : i32
        %add3A_393 = arith.addi %add3A_163, %add3A_392 : i32
        %sub3A_394 = arith.constant 1 : i32
        %sub3A_395 = arith.subi %add3A_393, %sub3A_394 : i32
        %mul3A_396 = arith.constant 8 : i32
        %mul3A_397 = arith.muli %sub3A_395, %mul3A_396 : i32
        %add3A_398 = arith.addi %mul3A_2, %mul3A_397 : i32
        %dma_start3A_399 = arith.constant 3 : i32
        %dma_start3A_400 = arith.constant 3 : i32
        %dma_start3A_401 = arith.constant 0 : i32
        %dma_start3A_402 = arith.constant 0 : i32
        %dma_start3A_403 = tpu.memref_slice %arg7[%dma_start3A_399, %dma_start3A_401, %dma_start3A_402] : memref<4x8x2048xf32, #tpu.memory_space<vmem>> -> memref<1x8x2048xf32, #tpu.memory_space<vmem>>
        %dma_start3A_404 = tpu.memref_squeeze %dma_start3A_403 : memref<1x8x2048xf32, #tpu.memory_space<vmem>> -> memref<8x2048xf32, #tpu.memory_space<vmem>>
        %dma_start3A_405 = arith.constant 0 : i32
        %dma_start3A_406 = tpu.memref_slice %arg3[%add3A_398, %dma_start3A_405] : memref<16384x2048xf32, #tpu.memory_space<hbm>> -> memref<8x2048xf32, #tpu.memory_space<hbm>>
        %dma_start3A_407 = tpu.memref_slice %arg11[%dma_start3A_400] : memref<4x!tpu.dma_semaphore, #tpu.memory_space<semaphore_mem>> -> memref<1x!tpu.dma_semaphore, #tpu.memory_space<semaphore_mem>>
        %dma_start3A_408 = tpu.memref_squeeze %dma_start3A_407 : memref<1x!tpu.dma_semaphore, #tpu.memory_space<semaphore_mem>> -> memref<!tpu.dma_semaphore, #tpu.memory_space<semaphore_mem>>
        %dma_start3A_409 = arith.constant 0 : i32
        %dma_start3A_410 = arith.constant 0 : i32
        %dma_start3A_411 = tpu.memref_slice %arg7[%dma_start3A_399, %dma_start3A_409, %dma_start3A_410] : memref<4x8x2048xf32, #tpu.memory_space<vmem>> -> memref<1x8x2048xf32, #tpu.memory_space<vmem>>
        %dma_start3A_412 = tpu.memref_squeeze %dma_start3A_411 : memref<1x8x2048xf32, #tpu.memory_space<vmem>> -> memref<8x2048xf32, #tpu.memory_space<vmem>>
        %dma_start3A_413 = arith.constant 0 : i32
        %dma_start3A_414 = tpu.memref_slice %arg3[%add3A_398, %dma_start3A_413] : memref<16384x2048xf32, #tpu.memory_space<hbm>> -> memref<8x2048xf32, #tpu.memory_space<hbm>>
        tpu.enqueue_dma source(%dma_start3A_414 : memref<8x2048xf32, #tpu.memory_space<hbm>>) target(%dma_start3A_412 : memref<8x2048xf32, #tpu.memory_space<vmem>>) target_semaphore(%dma_start3A_408 : memref<!tpu.dma_semaphore, #tpu.memory_space<semaphore_mem>>)
      } else {
      }
      %mul3A_214 = arith.constant 4 : i32
      %mul3A_215 = arith.muli %scan3A_158, %mul3A_214 : i32
      %add3A_216 = arith.constant 1 : i32
      %add3A_217 = arith.addi %mul3A_215, %add3A_216 : i32
      %mul3A_218 = arith.constant 8 : i32
      %mul3A_219 = arith.muli %add3A_217, %mul3A_218 : i32
      %add3A_220 = arith.addi %mul3A_2, %mul3A_219 : i32
      %dma_wait3A_221 = arith.constant 1 : i32
      %dma_wait3A_222 = arith.constant 1 : i32
      %dma_wait3A_223 = arith.constant 0 : i32
      %dma_wait3A_224 = arith.constant 0 : i32
      %dma_wait3A_225 = tpu.memref_slice %arg7[%dma_wait3A_221, %dma_wait3A_223, %dma_wait3A_224] : memref<4x8x2048xf32, #tpu.memory_space<vmem>> -> memref<1x8x2048xf32, #tpu.memory_space<vmem>>
      %dma_wait3A_226 = tpu.memref_squeeze %dma_wait3A_225 : memref<1x8x2048xf32, #tpu.memory_space<vmem>> -> memref<8x2048xf32, #tpu.memory_space<vmem>>
      %dma_wait3A_227 = arith.constant 0 : i32
      %dma_wait3A_228 = tpu.memref_slice %arg3[%add3A_220, %dma_wait3A_227] : memref<16384x2048xf32, #tpu.memory_space<hbm>> -> memref<8x2048xf32, #tpu.memory_space<hbm>>
      %dma_wait3A_229 = tpu.memref_slice %arg11[%dma_wait3A_222] : memref<4x!tpu.dma_semaphore, #tpu.memory_space<semaphore_mem>> -> memref<1x!tpu.dma_semaphore, #tpu.memory_space<semaphore_mem>>
      %dma_wait3A_230 = tpu.memref_squeeze %dma_wait3A_229 : memref<1x!tpu.dma_semaphore, #tpu.memory_space<semaphore_mem>> -> memref<!tpu.dma_semaphore, #tpu.memory_space<semaphore_mem>>
      %dma_wait3A_231 = arith.constant 0 : i32
      %dma_wait3A_232 = arith.constant 0 : i32
      %dma_wait3A_233 = tpu.memref_slice %arg7[%dma_wait3A_221, %dma_wait3A_231, %dma_wait3A_232] : memref<4x8x2048xf32, #tpu.memory_space<vmem>> -> memref<1x8x2048xf32, #tpu.memory_space<vmem>>
      %dma_wait3A_234 = tpu.memref_squeeze %dma_wait3A_233 : memref<1x8x2048xf32, #tpu.memory_space<vmem>> -> memref<8x2048xf32, #tpu.memory_space<vmem>>
      %dma_wait3A_235 = arith.constant 0 : i32
      %dma_wait3A_236 = tpu.memref_slice %arg3[%add3A_220, %dma_wait3A_235] : memref<16384x2048xf32, #tpu.memory_space<hbm>> -> memref<8x2048xf32, #tpu.memory_space<hbm>>
      tpu.wait_dma2 semaphore(%dma_wait3A_230 : memref<!tpu.dma_semaphore, #tpu.memory_space<semaphore_mem>>) src(%dma_wait3A_236 : memref<8x2048xf32, #tpu.memory_space<hbm>>) dst(%dma_wait3A_234 : memref<8x2048xf32, #tpu.memory_space<vmem>>)
      %parallel_loop3A_237 = arith.constant 0 : i32
      %parallel_loop3A_238 = arith.constant 8 : i32
      %parallel_loop3A_239 = arith.constant 1 : i32
      scf.for %parallel_loop3A_392 = %parallel_loop3A_237 to %parallel_loop3A_238 step %parallel_loop3A_239  : i32 {
        %parallel_loop3A_393 = arith.constant 8 : i32
        %parallel_loop3A_394 = arith.muli %add3A_217, %parallel_loop3A_393 : i32
        %parallel_loop3A_395 = arith.addi %parallel_loop3A_394, %parallel_loop3A_392 : i32
        %parallel_loop3A_396 = arith.index_cast %parallel_loop3A_395 : i32 to index
        %parallel_loop3A_397 = tpu.vector_load %arg9[%parallel_loop3A_396] {strides = array<i32>} : memref<528xi32, #tpu.memory_space<vmem>>, vector<16xi32>,
        %parallel_loop3A_398 = vector.shape_cast %parallel_loop3A_397 : vector<16xi32> to vector<16xi32>
        %parallel_loop3A_399 = vector.extract_strided_slice %parallel_loop3A_398 {offsets = [0], sizes = [1], strides = [1]} : vector<16xi32> to vector<1xi32>
        %parallel_loop3A_400 = vector.extract %parallel_loop3A_399[0] : i32 from vector<1xi32>
        %parallel_loop3A_401 = arith.index_cast %parallel_loop3A_395 : i32 to index
        %parallel_loop3A_402 = tpu.vector_load %arg10[%parallel_loop3A_401] {strides = array<i32>} : memref<528xf32, #tpu.memory_space<vmem>>, vector<16xf32>,
        %parallel_loop3A_403 = vector.shape_cast %parallel_loop3A_402 : vector<16xf32> to vector<16xf32>
        %parallel_loop3A_404 = vector.extract_strided_slice %parallel_loop3A_403 {offsets = [0], sizes = [1], strides = [1]} : vector<16xf32> to vector<1xf32>
        %parallel_loop3A_405 = vector.extract %parallel_loop3A_404[0] : f32 from vector<1xf32>
        %parallel_loop3A_406 = arith.constant 0 : i32
        %parallel_loop3A_407 = arith.constant 128 : i32
        %parallel_loop3A_408 = arith.constant 1 : i32
        scf.for %parallel_loop3A_409 = %parallel_loop3A_406 to %parallel_loop3A_407 step %parallel_loop3A_408  : i32 {
          %parallel_loop3A_410 = arith.constant 16 : i32
          %parallel_loop3A_411 = arith.muli %parallel_loop3A_409, %parallel_loop3A_410 : i32
          %parallel_loop3A_412 = arith.constant 1 : i32
          %parallel_loop3A_413 = arith.index_cast %parallel_loop3A_412 : i32 to index
          %parallel_loop3A_414 = arith.index_cast %parallel_loop3A_392 : i32 to index
          %parallel_loop3A_415 = arith.index_cast %parallel_loop3A_411 : i32 to index
          %parallel_loop3A_416 = tpu.vector_load %arg7[%parallel_loop3A_413, %parallel_loop3A_414, %parallel_loop3A_415] {strides = array<i32>} : memref<4x8x2048xf32, #tpu.memory_space<vmem>>, vector<1x1x16xf32>,
          %parallel_loop3A_417 = vector.shape_cast %parallel_loop3A_416 : vector<1x1x16xf32> to vector<16xf32>
          %parallel_loop3A_418 = vector.broadcast %parallel_loop3A_405 : f32 to vector<16xf32>
          %parallel_loop3A_419 = arith.mulf %parallel_loop3A_417, %parallel_loop3A_418 : vector<16xf32>
          %parallel_loop3A_420 = arith.index_cast %parallel_loop3A_400 : i32 to index
          %parallel_loop3A_421 = arith.index_cast %parallel_loop3A_411 : i32 to index
          %parallel_loop3A_422 = tpu.vector_load %arg6[%parallel_loop3A_420, %parallel_loop3A_421] {strides = array<i32>} : memref<17x2048xf32, #tpu.memory_space<vmem>>, vector<1x16xf32>,
          %parallel_loop3A_423 = vector.shape_cast %parallel_loop3A_422 : vector<1x16xf32> to vector<16xf32>
          %parallel_loop3A_424 = arith.addf %parallel_loop3A_419, %parallel_loop3A_423 : vector<16xf32>
          %parallel_loop3A_425 = arith.constant 1 : i32
          %parallel_loop3A_426 = arith.index_cast %parallel_loop3A_425 : i32 to index
          %parallel_loop3A_427 = arith.index_cast %parallel_loop3A_392 : i32 to index
          %parallel_loop3A_428 = arith.index_cast %parallel_loop3A_411 : i32 to index
          %parallel_loop3A_429 = tpu.vector_load %arg7[%parallel_loop3A_426, %parallel_loop3A_427, %parallel_loop3A_428] {strides = array<i32>} : memref<4x8x2048xf32, #tpu.memory_space<vmem>>, vector<1x1x16xf32>,
          %parallel_loop3A_430 = vector.shape_cast %parallel_loop3A_429 : vector<1x1x16xf32> to vector<16xf32>
          %parallel_loop3A_431 = vector.shape_cast %parallel_loop3A_424 : vector<16xf32> to vector<1x1x16xf32>
          tpu.vector_store %arg7[%parallel_loop3A_426, %parallel_loop3A_427, %parallel_loop3A_428], %parallel_loop3A_431 {strides = array<i32>} : memref<4x8x2048xf32, #tpu.memory_space<vmem>>, vector<1x1x16xf32>,
        } {sc.loop_unroll_factor = 16 : i64, sc.parallel_access}
      } {sc.loop_unroll_factor = 1 : i64, sc.parallel_access}
      %mul3A_240 = arith.constant 8 : i32
      %mul3A_241 = arith.muli %add3A_217, %mul3A_240 : i32
      %add3A_242 = arith.addi %mul3A_2, %mul3A_241 : i32
      %dma_start3A_243 = arith.constant 1 : i32
      %dma_start3A_244 = arith.constant 1 : i32
      %dma_start3A_245 = arith.constant 0 : i32
      %dma_start3A_246 = arith.constant 0 : i32
      %dma_start3A_247 = tpu.memref_slice %arg7[%dma_start3A_243, %dma_start3A_245, %dma_start3A_246] : memref<4x8x2048xf32, #tpu.memory_space<vmem>> -> memref<1x8x2048xf32, #tpu.memory_space<vmem>>
      %dma_start3A_248 = tpu.memref_squeeze %dma_start3A_247 : memref<1x8x2048xf32, #tpu.memory_space<vmem>> -> memref<8x2048xf32, #tpu.memory_space<vmem>>
      %dma_start3A_249 = arith.constant 0 : i32
      %dma_start3A_250 = tpu.memref_slice %arg5[%add3A_242, %dma_start3A_249] : memref<16384x2048xf32, #tpu.memory_space<hbm>> -> memref<8x2048xf32, #tpu.memory_space<hbm>>
      %dma_start3A_251 = tpu.memref_slice %arg12[%dma_start3A_244] : memref<4x!tpu.dma_semaphore, #tpu.memory_space<semaphore_mem>> -> memref<1x!tpu.dma_semaphore, #tpu.memory_space<semaphore_mem>>
      %dma_start3A_252 = tpu.memref_squeeze %dma_start3A_251 : memref<1x!tpu.dma_semaphore, #tpu.memory_space<semaphore_mem>> -> memref<!tpu.dma_semaphore, #tpu.memory_space<semaphore_mem>>
      %dma_start3A_253 = arith.constant 0 : i32
      %dma_start3A_254 = tpu.memref_slice %arg5[%add3A_242, %dma_start3A_253] : memref<16384x2048xf32, #tpu.memory_space<hbm>> -> memref<8x2048xf32, #tpu.memory_space<hbm>>
      %dma_start3A_255 = arith.constant 0 : i32
      %dma_start3A_256 = arith.constant 0 : i32
      %dma_start3A_257 = tpu.memref_slice %arg7[%dma_start3A_243, %dma_start3A_255, %dma_start3A_256] : memref<4x8x2048xf32, #tpu.memory_space<vmem>> -> memref<1x8x2048xf32, #tpu.memory_space<vmem>>
      %dma_start3A_258 = tpu.memref_squeeze %dma_start3A_257 : memref<1x8x2048xf32, #tpu.memory_space<vmem>> -> memref<8x2048xf32, #tpu.memory_space<vmem>>
      tpu.enqueue_dma source(%dma_start3A_258 : memref<8x2048xf32, #tpu.memory_space<vmem>>) target(%dma_start3A_254 : memref<8x2048xf32, #tpu.memory_space<hbm>>) target_semaphore(%dma_start3A_252 : memref<!tpu.dma_semaphore, #tpu.memory_space<semaphore_mem>>)
      %ge3A_259 = arith.constant 1 : i32
      %ge3A_260 = arith.cmpi sge, %add3A_217, %ge3A_259 : i32
      %convert_element_type3A_261 = arith.extui %ge3A_260 : i1 to i32
      %cond3A_262 = arith.constant 0 : i32
      %cond3A_263 = arith.cmpi ne, %convert_element_type3A_261, %cond3A_262 : i32
      scf.if %cond3A_263 {
        %sub3A_392 = arith.constant 1 : i32
        %sub3A_393 = arith.subi %add3A_217, %sub3A_392 : i32
        %mul3A_394 = arith.constant 8 : i32
        %mul3A_395 = arith.muli %sub3A_393, %mul3A_394 : i32
        %add3A_396 = arith.addi %mul3A_2, %mul3A_395 : i32
        %dma_wait3A_397 = arith.constant 0 : i32
        %dma_wait3A_398 = arith.constant 0 : i32
        %dma_wait3A_399 = arith.constant 0 : i32
        %dma_wait3A_400 = arith.constant 0 : i32
        %dma_wait3A_401 = tpu.memref_slice %arg7[%dma_wait3A_397, %dma_wait3A_399, %dma_wait3A_400] : memref<4x8x2048xf32, #tpu.memory_space<vmem>> -> memref<1x8x2048xf32, #tpu.memory_space<vmem>>
        %dma_wait3A_402 = tpu.memref_squeeze %dma_wait3A_401 : memref<1x8x2048xf32, #tpu.memory_space<vmem>> -> memref<8x2048xf32, #tpu.memory_space<vmem>>
        %dma_wait3A_403 = arith.constant 0 : i32
        %dma_wait3A_404 = tpu.memref_slice %arg5[%add3A_396, %dma_wait3A_403] : memref<16384x2048xf32, #tpu.memory_space<hbm>> -> memref<8x2048xf32, #tpu.memory_space<hbm>>
        %dma_wait3A_405 = tpu.memref_slice %arg12[%dma_wait3A_398] : memref<4x!tpu.dma_semaphore, #tpu.memory_space<semaphore_mem>> -> memref<1x!tpu.dma_semaphore, #tpu.memory_space<semaphore_mem>>
        %dma_wait3A_406 = tpu.memref_squeeze %dma_wait3A_405 : memref<1x!tpu.dma_semaphore, #tpu.memory_space<semaphore_mem>> -> memref<!tpu.dma_semaphore, #tpu.memory_space<semaphore_mem>>
        %dma_wait3A_407 = arith.constant 0 : i32
        %dma_wait3A_408 = tpu.memref_slice %arg5[%add3A_396, %dma_wait3A_407] : memref<16384x2048xf32, #tpu.memory_space<hbm>> -> memref<8x2048xf32, #tpu.memory_space<hbm>>
        %dma_wait3A_409 = arith.constant 0 : i32
        %dma_wait3A_410 = arith.constant 0 : i32
        %dma_wait3A_411 = tpu.memref_slice %arg7[%dma_wait3A_397, %dma_wait3A_409, %dma_wait3A_410] : memref<4x8x2048xf32, #tpu.memory_space<vmem>> -> memref<1x8x2048xf32, #tpu.memory_space<vmem>>
        %dma_wait3A_412 = tpu.memref_squeeze %dma_wait3A_411 : memref<1x8x2048xf32, #tpu.memory_space<vmem>> -> memref<8x2048xf32, #tpu.memory_space<vmem>>
        tpu.wait_dma2 semaphore(%dma_wait3A_406 : memref<!tpu.dma_semaphore, #tpu.memory_space<semaphore_mem>>) src(%dma_wait3A_412 : memref<8x2048xf32, #tpu.memory_space<vmem>>) dst(%dma_wait3A_408 : memref<8x2048xf32, #tpu.memory_space<hbm>>)
      } else {
      }
      %add3A_264 = arith.constant 4 : i32
      %add3A_265 = arith.addi %add3A_217, %add3A_264 : i32
      %sub3A_266 = arith.constant 1 : i32
      %sub3A_267 = arith.subi %add3A_265, %sub3A_266 : i32
      %lt3A_268 = arith.constant 64 : i32
      %lt3A_269 = arith.cmpi slt, %sub3A_267, %lt3A_268 : i32
      %convert_element_type3A_270 = arith.extui %lt3A_269 : i1 to i32
      %cond3A_271 = arith.constant 0 : i32
      %cond3A_272 = arith.cmpi ne, %convert_element_type3A_270, %cond3A_271 : i32
      scf.if %cond3A_272 {
        %add3A_392 = arith.constant 4 : i32
        %add3A_393 = arith.addi %add3A_217, %add3A_392 : i32
        %sub3A_394 = arith.constant 1 : i32
        %sub3A_395 = arith.subi %add3A_393, %sub3A_394 : i32
        %mul3A_396 = arith.constant 8 : i32
        %mul3A_397 = arith.muli %sub3A_395, %mul3A_396 : i32
        %add3A_398 = arith.addi %mul3A_2, %mul3A_397 : i32
        %dma_start3A_399 = arith.constant 0 : i32
        %dma_start3A_400 = arith.constant 0 : i32
        %dma_start3A_401 = arith.constant 0 : i32
        %dma_start3A_402 = arith.constant 0 : i32
        %dma_start3A_403 = tpu.memref_slice %arg7[%dma_start3A_399, %dma_start3A_401, %dma_start3A_402] : memref<4x8x2048xf32, #tpu.memory_space<vmem>> -> memref<1x8x2048xf32, #tpu.memory_space<vmem>>
        %dma_start3A_404 = tpu.memref_squeeze %dma_start3A_403 : memref<1x8x2048xf32, #tpu.memory_space<vmem>> -> memref<8x2048xf32, #tpu.memory_space<vmem>>
        %dma_start3A_405 = arith.constant 0 : i32
        %dma_start3A_406 = tpu.memref_slice %arg3[%add3A_398, %dma_start3A_405] : memref<16384x2048xf32, #tpu.memory_space<hbm>> -> memref<8x2048xf32, #tpu.memory_space<hbm>>
        %dma_start3A_407 = tpu.memref_slice %arg11[%dma_start3A_400] : memref<4x!tpu.dma_semaphore, #tpu.memory_space<semaphore_mem>> -> memref<1x!tpu.dma_semaphore, #tpu.memory_space<semaphore_mem>>
        %dma_start3A_408 = tpu.memref_squeeze %dma_start3A_407 : memref<1x!tpu.dma_semaphore, #tpu.memory_space<semaphore_mem>> -> memref<!tpu.dma_semaphore, #tpu.memory_space<semaphore_mem>>
        %dma_start3A_409 = arith.constant 0 : i32
        %dma_start3A_410 = arith.constant 0 : i32
        %dma_start3A_411 = tpu.memref_slice %arg7[%dma_start3A_399, %dma_start3A_409, %dma_start3A_410] : memref<4x8x2048xf32, #tpu.memory_space<vmem>> -> memref<1x8x2048xf32, #tpu.memory_space<vmem>>
        %dma_start3A_412 = tpu.memref_squeeze %dma_start3A_411 : memref<1x8x2048xf32, #tpu.memory_space<vmem>> -> memref<8x2048xf32, #tpu.memory_space<vmem>>
        %dma_start3A_413 = arith.constant 0 : i32
        %dma_start3A_414 = tpu.memref_slice %arg3[%add3A_398, %dma_start3A_413] : memref<16384x2048xf32, #tpu.memory_space<hbm>> -> memref<8x2048xf32, #tpu.memory_space<hbm>>
        tpu.enqueue_dma source(%dma_start3A_414 : memref<8x2048xf32, #tpu.memory_space<hbm>>) target(%dma_start3A_412 : memref<8x2048xf32, #tpu.memory_space<vmem>>) target_semaphore(%dma_start3A_408 : memref<!tpu.dma_semaphore, #tpu.memory_space<semaphore_mem>>)
      } else {
      }
      %mul3A_273 = arith.constant 4 : i32
      %mul3A_274 = arith.muli %scan3A_158, %mul3A_273 : i32
      %add3A_275 = arith.constant 2 : i32
      %add3A_276 = arith.addi %mul3A_274, %add3A_275 : i32
      %mul3A_277 = arith.constant 8 : i32
      %mul3A_278 = arith.muli %add3A_276, %mul3A_277 : i32
      %add3A_279 = arith.addi %mul3A_2, %mul3A_278 : i32
      %dma_wait3A_280 = arith.constant 2 : i32
      %dma_wait3A_281 = arith.constant 2 : i32
      %dma_wait3A_282 = arith.constant 0 : i32
      %dma_wait3A_283 = arith.constant 0 : i32
      %dma_wait3A_284 = tpu.memref_slice %arg7[%dma_wait3A_280, %dma_wait3A_282, %dma_wait3A_283] : memref<4x8x2048xf32, #tpu.memory_space<vmem>> -> memref<1x8x2048xf32, #tpu.memory_space<vmem>>
      %dma_wait3A_285 = tpu.memref_squeeze %dma_wait3A_284 : memref<1x8x2048xf32, #tpu.memory_space<vmem>> -> memref<8x2048xf32, #tpu.memory_space<vmem>>
      %dma_wait3A_286 = arith.constant 0 : i32
      %dma_wait3A_287 = tpu.memref_slice %arg3[%add3A_279, %dma_wait3A_286] : memref<16384x2048xf32, #tpu.memory_space<hbm>> -> memref<8x2048xf32, #tpu.memory_space<hbm>>
      %dma_wait3A_288 = tpu.memref_slice %arg11[%dma_wait3A_281] : memref<4x!tpu.dma_semaphore, #tpu.memory_space<semaphore_mem>> -> memref<1x!tpu.dma_semaphore, #tpu.memory_space<semaphore_mem>>
      %dma_wait3A_289 = tpu.memref_squeeze %dma_wait3A_288 : memref<1x!tpu.dma_semaphore, #tpu.memory_space<semaphore_mem>> -> memref<!tpu.dma_semaphore, #tpu.memory_space<semaphore_mem>>
      %dma_wait3A_290 = arith.constant 0 : i32
      %dma_wait3A_291 = arith.constant 0 : i32
      %dma_wait3A_292 = tpu.memref_slice %arg7[%dma_wait3A_280, %dma_wait3A_290, %dma_wait3A_291] : memref<4x8x2048xf32, #tpu.memory_space<vmem>> -> memref<1x8x2048xf32, #tpu.memory_space<vmem>>
      %dma_wait3A_293 = tpu.memref_squeeze %dma_wait3A_292 : memref<1x8x2048xf32, #tpu.memory_space<vmem>> -> memref<8x2048xf32, #tpu.memory_space<vmem>>
      %dma_wait3A_294 = arith.constant 0 : i32
      %dma_wait3A_295 = tpu.memref_slice %arg3[%add3A_279, %dma_wait3A_294] : memref<16384x2048xf32, #tpu.memory_space<hbm>> -> memref<8x2048xf32, #tpu.memory_space<hbm>>
      tpu.wait_dma2 semaphore(%dma_wait3A_289 : memref<!tpu.dma_semaphore, #tpu.memory_space<semaphore_mem>>) src(%dma_wait3A_295 : memref<8x2048xf32, #tpu.memory_space<hbm>>) dst(%dma_wait3A_293 : memref<8x2048xf32, #tpu.memory_space<vmem>>)
      %parallel_loop3A_296 = arith.constant 0 : i32
      %parallel_loop3A_297 = arith.constant 8 : i32
      %parallel_loop3A_298 = arith.constant 1 : i32
      scf.for %parallel_loop3A_392 = %parallel_loop3A_296 to %parallel_loop3A_297 step %parallel_loop3A_298  : i32 {
        %parallel_loop3A_393 = arith.constant 8 : i32
        %parallel_loop3A_394 = arith.muli %add3A_276, %parallel_loop3A_393 : i32
        %parallel_loop3A_395 = arith.addi %parallel_loop3A_394, %parallel_loop3A_392 : i32
        %parallel_loop3A_396 = arith.index_cast %parallel_loop3A_395 : i32 to index
        %parallel_loop3A_397 = tpu.vector_load %arg9[%parallel_loop3A_396] {strides = array<i32>} : memref<528xi32, #tpu.memory_space<vmem>>, vector<16xi32>,
        %parallel_loop3A_398 = vector.shape_cast %parallel_loop3A_397 : vector<16xi32> to vector<16xi32>
        %parallel_loop3A_399 = vector.extract_strided_slice %parallel_loop3A_398 {offsets = [0], sizes = [1], strides = [1]} : vector<16xi32> to vector<1xi32>
        %parallel_loop3A_400 = vector.extract %parallel_loop3A_399[0] : i32 from vector<1xi32>
        %parallel_loop3A_401 = arith.index_cast %parallel_loop3A_395 : i32 to index
        %parallel_loop3A_402 = tpu.vector_load %arg10[%parallel_loop3A_401] {strides = array<i32>} : memref<528xf32, #tpu.memory_space<vmem>>, vector<16xf32>,
        %parallel_loop3A_403 = vector.shape_cast %parallel_loop3A_402 : vector<16xf32> to vector<16xf32>
        %parallel_loop3A_404 = vector.extract_strided_slice %parallel_loop3A_403 {offsets = [0], sizes = [1], strides = [1]} : vector<16xf32> to vector<1xf32>
        %parallel_loop3A_405 = vector.extract %parallel_loop3A_404[0] : f32 from vector<1xf32>
        %parallel_loop3A_406 = arith.constant 0 : i32
        %parallel_loop3A_407 = arith.constant 128 : i32
        %parallel_loop3A_408 = arith.constant 1 : i32
        scf.for %parallel_loop3A_409 = %parallel_loop3A_406 to %parallel_loop3A_407 step %parallel_loop3A_408  : i32 {
          %parallel_loop3A_410 = arith.constant 16 : i32
          %parallel_loop3A_411 = arith.muli %parallel_loop3A_409, %parallel_loop3A_410 : i32
          %parallel_loop3A_412 = arith.constant 2 : i32
          %parallel_loop3A_413 = arith.index_cast %parallel_loop3A_412 : i32 to index
          %parallel_loop3A_414 = arith.index_cast %parallel_loop3A_392 : i32 to index
          %parallel_loop3A_415 = arith.index_cast %parallel_loop3A_411 : i32 to index
          %parallel_loop3A_416 = tpu.vector_load %arg7[%parallel_loop3A_413, %parallel_loop3A_414, %parallel_loop3A_415] {strides = array<i32>} : memref<4x8x2048xf32, #tpu.memory_space<vmem>>, vector<1x1x16xf32>,
          %parallel_loop3A_417 = vector.shape_cast %parallel_loop3A_416 : vector<1x1x16xf32> to vector<16xf32>
          %parallel_loop3A_418 = vector.broadcast %parallel_loop3A_405 : f32 to vector<16xf32>
          %parallel_loop3A_419 = arith.mulf %parallel_loop3A_417, %parallel_loop3A_418 : vector<16xf32>
          %parallel_loop3A_420 = arith.index_cast %parallel_loop3A_400 : i32 to index
          %parallel_loop3A_421 = arith.index_cast %parallel_loop3A_411 : i32 to index
          %parallel_loop3A_422 = tpu.vector_load %arg6[%parallel_loop3A_420, %parallel_loop3A_421] {strides = array<i32>} : memref<17x2048xf32, #tpu.memory_space<vmem>>, vector<1x16xf32>,
          %parallel_loop3A_423 = vector.shape_cast %parallel_loop3A_422 : vector<1x16xf32> to vector<16xf32>
          %parallel_loop3A_424 = arith.addf %parallel_loop3A_419, %parallel_loop3A_423 : vector<16xf32>
          %parallel_loop3A_425 = arith.constant 2 : i32
          %parallel_loop3A_426 = arith.index_cast %parallel_loop3A_425 : i32 to index
          %parallel_loop3A_427 = arith.index_cast %parallel_loop3A_392 : i32 to index
          %parallel_loop3A_428 = arith.index_cast %parallel_loop3A_411 : i32 to index
          %parallel_loop3A_429 = tpu.vector_load %arg7[%parallel_loop3A_426, %parallel_loop3A_427, %parallel_loop3A_428] {strides = array<i32>} : memref<4x8x2048xf32, #tpu.memory_space<vmem>>, vector<1x1x16xf32>,
          %parallel_loop3A_430 = vector.shape_cast %parallel_loop3A_429 : vector<1x1x16xf32> to vector<16xf32>
          %parallel_loop3A_431 = vector.shape_cast %parallel_loop3A_424 : vector<16xf32> to vector<1x1x16xf32>
          tpu.vector_store %arg7[%parallel_loop3A_426, %parallel_loop3A_427, %parallel_loop3A_428], %parallel_loop3A_431 {strides = array<i32>} : memref<4x8x2048xf32, #tpu.memory_space<vmem>>, vector<1x1x16xf32>,
        } {sc.loop_unroll_factor = 16 : i64, sc.parallel_access}
      } {sc.loop_unroll_factor = 1 : i64, sc.parallel_access}
      %mul3A_299 = arith.constant 8 : i32
      %mul3A_300 = arith.muli %add3A_276, %mul3A_299 : i32
      %add3A_301 = arith.addi %mul3A_2, %mul3A_300 : i32
      %dma_start3A_302 = arith.constant 2 : i32
      %dma_start3A_303 = arith.constant 2 : i32
      %dma_start3A_304 = arith.constant 0 : i32
      %dma_start3A_305 = arith.constant 0 : i32
      %dma_start3A_306 = tpu.memref_slice %arg7[%dma_start3A_302, %dma_start3A_304, %dma_start3A_305] : memref<4x8x2048xf32, #tpu.memory_space<vmem>> -> memref<1x8x2048xf32, #tpu.memory_space<vmem>>
      %dma_start3A_307 = tpu.memref_squeeze %dma_start3A_306 : memref<1x8x2048xf32, #tpu.memory_space<vmem>> -> memref<8x2048xf32, #tpu.memory_space<vmem>>
      %dma_start3A_308 = arith.constant 0 : i32
      %dma_start3A_309 = tpu.memref_slice %arg5[%add3A_301, %dma_start3A_308] : memref<16384x2048xf32, #tpu.memory_space<hbm>> -> memref<8x2048xf32, #tpu.memory_space<hbm>>
      %dma_start3A_310 = tpu.memref_slice %arg12[%dma_start3A_303] : memref<4x!tpu.dma_semaphore, #tpu.memory_space<semaphore_mem>> -> memref<1x!tpu.dma_semaphore, #tpu.memory_space<semaphore_mem>>
      %dma_start3A_311 = tpu.memref_squeeze %dma_start3A_310 : memref<1x!tpu.dma_semaphore, #tpu.memory_space<semaphore_mem>> -> memref<!tpu.dma_semaphore, #tpu.memory_space<semaphore_mem>>
      %dma_start3A_312 = arith.constant 0 : i32
      %dma_start3A_313 = tpu.memref_slice %arg5[%add3A_301, %dma_start3A_312] : memref<16384x2048xf32, #tpu.memory_space<hbm>> -> memref<8x2048xf32, #tpu.memory_space<hbm>>
      %dma_start3A_314 = arith.constant 0 : i32
      %dma_start3A_315 = arith.constant 0 : i32
      %dma_start3A_316 = tpu.memref_slice %arg7[%dma_start3A_302, %dma_start3A_314, %dma_start3A_315] : memref<4x8x2048xf32, #tpu.memory_space<vmem>> -> memref<1x8x2048xf32, #tpu.memory_space<vmem>>
      %dma_start3A_317 = tpu.memref_squeeze %dma_start3A_316 : memref<1x8x2048xf32, #tpu.memory_space<vmem>> -> memref<8x2048xf32, #tpu.memory_space<vmem>>
      tpu.enqueue_dma source(%dma_start3A_317 : memref<8x2048xf32, #tpu.memory_space<vmem>>) target(%dma_start3A_313 : memref<8x2048xf32, #tpu.memory_space<hbm>>) target_semaphore(%dma_start3A_311 : memref<!tpu.dma_semaphore, #tpu.memory_space<semaphore_mem>>)
      %ge3A_318 = arith.constant 1 : i32
      %ge3A_319 = arith.cmpi sge, %add3A_276, %ge3A_318 : i32
      %convert_element_type3A_320 = arith.extui %ge3A_319 : i1 to i32
      %cond3A_321 = arith.constant 0 : i32
      %cond3A_322 = arith.cmpi ne, %convert_element_type3A_320, %cond3A_321 : i32
      scf.if %cond3A_322 {
        %sub3A_392 = arith.constant 1 : i32
        %sub3A_393 = arith.subi %add3A_276, %sub3A_392 : i32
        %mul3A_394 = arith.constant 8 : i32
        %mul3A_395 = arith.muli %sub3A_393, %mul3A_394 : i32
        %add3A_396 = arith.addi %mul3A_2, %mul3A_395 : i32
        %dma_wait3A_397 = arith.constant 1 : i32
        %dma_wait3A_398 = arith.constant 1 : i32
        %dma_wait3A_399 = arith.constant 0 : i32
        %dma_wait3A_400 = arith.constant 0 : i32
        %dma_wait3A_401 = tpu.memref_slice %arg7[%dma_wait3A_397, %dma_wait3A_399, %dma_wait3A_400] : memref<4x8x2048xf32, #tpu.memory_space<vmem>> -> memref<1x8x2048xf32, #tpu.memory_space<vmem>>
        %dma_wait3A_402 = tpu.memref_squeeze %dma_wait3A_401 : memref<1x8x2048xf32, #tpu.memory_space<vmem>> -> memref<8x2048xf32, #tpu.memory_space<vmem>>
        %dma_wait3A_403 = arith.constant 0 : i32
        %dma_wait3A_404 = tpu.memref_slice %arg5[%add3A_396, %dma_wait3A_403] : memref<16384x2048xf32, #tpu.memory_space<hbm>> -> memref<8x2048xf32, #tpu.memory_space<hbm>>
        %dma_wait3A_405 = tpu.memref_slice %arg12[%dma_wait3A_398] : memref<4x!tpu.dma_semaphore, #tpu.memory_space<semaphore_mem>> -> memref<1x!tpu.dma_semaphore, #tpu.memory_space<semaphore_mem>>
        %dma_wait3A_406 = tpu.memref_squeeze %dma_wait3A_405 : memref<1x!tpu.dma_semaphore, #tpu.memory_space<semaphore_mem>> -> memref<!tpu.dma_semaphore, #tpu.memory_space<semaphore_mem>>
        %dma_wait3A_407 = arith.constant 0 : i32
        %dma_wait3A_408 = tpu.memref_slice %arg5[%add3A_396, %dma_wait3A_407] : memref<16384x2048xf32, #tpu.memory_space<hbm>> -> memref<8x2048xf32, #tpu.memory_space<hbm>>
        %dma_wait3A_409 = arith.constant 0 : i32
        %dma_wait3A_410 = arith.constant 0 : i32
        %dma_wait3A_411 = tpu.memref_slice %arg7[%dma_wait3A_397, %dma_wait3A_409, %dma_wait3A_410] : memref<4x8x2048xf32, #tpu.memory_space<vmem>> -> memref<1x8x2048xf32, #tpu.memory_space<vmem>>
        %dma_wait3A_412 = tpu.memref_squeeze %dma_wait3A_411 : memref<1x8x2048xf32, #tpu.memory_space<vmem>> -> memref<8x2048xf32, #tpu.memory_space<vmem>>
        tpu.wait_dma2 semaphore(%dma_wait3A_406 : memref<!tpu.dma_semaphore, #tpu.memory_space<semaphore_mem>>) src(%dma_wait3A_412 : memref<8x2048xf32, #tpu.memory_space<vmem>>) dst(%dma_wait3A_408 : memref<8x2048xf32, #tpu.memory_space<hbm>>)
      } else {
      }
      %add3A_323 = arith.constant 4 : i32
      %add3A_324 = arith.addi %add3A_276, %add3A_323 : i32
      %sub3A_325 = arith.constant 1 : i32
      %sub3A_326 = arith.subi %add3A_324, %sub3A_325 : i32
      %lt3A_327 = arith.constant 64 : i32
      %lt3A_328 = arith.cmpi slt, %sub3A_326, %lt3A_327 : i32
      %convert_element_type3A_329 = arith.extui %lt3A_328 : i1 to i32
      %cond3A_330 = arith.constant 0 : i32
      %cond3A_331 = arith.cmpi ne, %convert_element_type3A_329, %cond3A_330 : i32
      scf.if %cond3A_331 {
        %add3A_392 = arith.constant 4 : i32
        %add3A_393 = arith.addi %add3A_276, %add3A_392 : i32
        %sub3A_394 = arith.constant 1 : i32
        %sub3A_395 = arith.subi %add3A_393, %sub3A_394 : i32
        %mul3A_396 = arith.constant 8 : i32
        %mul3A_397 = arith.muli %sub3A_395, %mul3A_396 : i32
        %add3A_398 = arith.addi %mul3A_2, %mul3A_397 : i32
        %dma_start3A_399 = arith.constant 1 : i32
        %dma_start3A_400 = arith.constant 1 : i32
        %dma_start3A_401 = arith.constant 0 : i32
        %dma_start3A_402 = arith.constant 0 : i32
        %dma_start3A_403 = tpu.memref_slice %arg7[%dma_start3A_399, %dma_start3A_401, %dma_start3A_402] : memref<4x8x2048xf32, #tpu.memory_space<vmem>> -> memref<1x8x2048xf32, #tpu.memory_space<vmem>>
        %dma_start3A_404 = tpu.memref_squeeze %dma_start3A_403 : memref<1x8x2048xf32, #tpu.memory_space<vmem>> -> memref<8x2048xf32, #tpu.memory_space<vmem>>
        %dma_start3A_405 = arith.constant 0 : i32
        %dma_start3A_406 = tpu.memref_slice %arg3[%add3A_398, %dma_start3A_405] : memref<16384x2048xf32, #tpu.memory_space<hbm>> -> memref<8x2048xf32, #tpu.memory_space<hbm>>
        %dma_start3A_407 = tpu.memref_slice %arg11[%dma_start3A_400] : memref<4x!tpu.dma_semaphore, #tpu.memory_space<semaphore_mem>> -> memref<1x!tpu.dma_semaphore, #tpu.memory_space<semaphore_mem>>
        %dma_start3A_408 = tpu.memref_squeeze %dma_start3A_407 : memref<1x!tpu.dma_semaphore, #tpu.memory_space<semaphore_mem>> -> memref<!tpu.dma_semaphore, #tpu.memory_space<semaphore_mem>>
        %dma_start3A_409 = arith.constant 0 : i32
        %dma_start3A_410 = arith.constant 0 : i32
        %dma_start3A_411 = tpu.memref_slice %arg7[%dma_start3A_399, %dma_start3A_409, %dma_start3A_410] : memref<4x8x2048xf32, #tpu.memory_space<vmem>> -> memref<1x8x2048xf32, #tpu.memory_space<vmem>>
        %dma_start3A_412 = tpu.memref_squeeze %dma_start3A_411 : memref<1x8x2048xf32, #tpu.memory_space<vmem>> -> memref<8x2048xf32, #tpu.memory_space<vmem>>
        %dma_start3A_413 = arith.constant 0 : i32
        %dma_start3A_414 = tpu.memref_slice %arg3[%add3A_398, %dma_start3A_413] : memref<16384x2048xf32, #tpu.memory_space<hbm>> -> memref<8x2048xf32, #tpu.memory_space<hbm>>
        tpu.enqueue_dma source(%dma_start3A_414 : memref<8x2048xf32, #tpu.memory_space<hbm>>) target(%dma_start3A_412 : memref<8x2048xf32, #tpu.memory_space<vmem>>) target_semaphore(%dma_start3A_408 : memref<!tpu.dma_semaphore, #tpu.memory_space<semaphore_mem>>)
      } else {
      }
      %mul3A_332 = arith.constant 4 : i32
      %mul3A_333 = arith.muli %scan3A_158, %mul3A_332 : i32
      %add3A_334 = arith.constant 3 : i32
      %add3A_335 = arith.addi %mul3A_333, %add3A_334 : i32
      %mul3A_336 = arith.constant 8 : i32
      %mul3A_337 = arith.muli %add3A_335, %mul3A_336 : i32
      %add3A_338 = arith.addi %mul3A_2, %mul3A_337 : i32
      %dma_wait3A_339 = arith.constant 3 : i32
      %dma_wait3A_340 = arith.constant 3 : i32
      %dma_wait3A_341 = arith.constant 0 : i32
      %dma_wait3A_342 = arith.constant 0 : i32
      %dma_wait3A_343 = tpu.memref_slice %arg7[%dma_wait3A_339, %dma_wait3A_341, %dma_wait3A_342] : memref<4x8x2048xf32, #tpu.memory_space<vmem>> -> memref<1x8x2048xf32, #tpu.memory_space<vmem>>
      %dma_wait3A_344 = tpu.memref_squeeze %dma_wait3A_343 : memref<1x8x2048xf32, #tpu.memory_space<vmem>> -> memref<8x2048xf32, #tpu.memory_space<vmem>>
      %dma_wait3A_345 = arith.constant 0 : i32
      %dma_wait3A_346 = tpu.memref_slice %arg3[%add3A_338, %dma_wait3A_345] : memref<16384x2048xf32, #tpu.memory_space<hbm>> -> memref<8x2048xf32, #tpu.memory_space<hbm>>
      %dma_wait3A_347 = tpu.memref_slice %arg11[%dma_wait3A_340] : memref<4x!tpu.dma_semaphore, #tpu.memory_space<semaphore_mem>> -> memref<1x!tpu.dma_semaphore, #tpu.memory_space<semaphore_mem>>
      %dma_wait3A_348 = tpu.memref_squeeze %dma_wait3A_347 : memref<1x!tpu.dma_semaphore, #tpu.memory_space<semaphore_mem>> -> memref<!tpu.dma_semaphore, #tpu.memory_space<semaphore_mem>>
      %dma_wait3A_349 = arith.constant 0 : i32
      %dma_wait3A_350 = arith.constant 0 : i32
      %dma_wait3A_351 = tpu.memref_slice %arg7[%dma_wait3A_339, %dma_wait3A_349, %dma_wait3A_350] : memref<4x8x2048xf32, #tpu.memory_space<vmem>> -> memref<1x8x2048xf32, #tpu.memory_space<vmem>>
      %dma_wait3A_352 = tpu.memref_squeeze %dma_wait3A_351 : memref<1x8x2048xf32, #tpu.memory_space<vmem>> -> memref<8x2048xf32, #tpu.memory_space<vmem>>
      %dma_wait3A_353 = arith.constant 0 : i32
      %dma_wait3A_354 = tpu.memref_slice %arg3[%add3A_338, %dma_wait3A_353] : memref<16384x2048xf32, #tpu.memory_space<hbm>> -> memref<8x2048xf32, #tpu.memory_space<hbm>>
      tpu.wait_dma2 semaphore(%dma_wait3A_348 : memref<!tpu.dma_semaphore, #tpu.memory_space<semaphore_mem>>) src(%dma_wait3A_354 : memref<8x2048xf32, #tpu.memory_space<hbm>>) dst(%dma_wait3A_352 : memref<8x2048xf32, #tpu.memory_space<vmem>>)
      %parallel_loop3A_355 = arith.constant 0 : i32
      %parallel_loop3A_356 = arith.constant 8 : i32
      %parallel_loop3A_357 = arith.constant 1 : i32
      scf.for %parallel_loop3A_392 = %parallel_loop3A_355 to %parallel_loop3A_356 step %parallel_loop3A_357  : i32 {
        %parallel_loop3A_393 = arith.constant 8 : i32
        %parallel_loop3A_394 = arith.muli %add3A_335, %parallel_loop3A_393 : i32
        %parallel_loop3A_395 = arith.addi %parallel_loop3A_394, %parallel_loop3A_392 : i32
        %parallel_loop3A_396 = arith.index_cast %parallel_loop3A_395 : i32 to index
        %parallel_loop3A_397 = tpu.vector_load %arg9[%parallel_loop3A_396] {strides = array<i32>} : memref<528xi32, #tpu.memory_space<vmem>>, vector<16xi32>,
        %parallel_loop3A_398 = vector.shape_cast %parallel_loop3A_397 : vector<16xi32> to vector<16xi32>
        %parallel_loop3A_399 = vector.extract_strided_slice %parallel_loop3A_398 {offsets = [0], sizes = [1], strides = [1]} : vector<16xi32> to vector<1xi32>
        %parallel_loop3A_400 = vector.extract %parallel_loop3A_399[0] : i32 from vector<1xi32>
        %parallel_loop3A_401 = arith.index_cast %parallel_loop3A_395 : i32 to index
        %parallel_loop3A_402 = tpu.vector_load %arg10[%parallel_loop3A_401] {strides = array<i32>} : memref<528xf32, #tpu.memory_space<vmem>>, vector<16xf32>,
        %parallel_loop3A_403 = vector.shape_cast %parallel_loop3A_402 : vector<16xf32> to vector<16xf32>
        %parallel_loop3A_404 = vector.extract_strided_slice %parallel_loop3A_403 {offsets = [0], sizes = [1], strides = [1]} : vector<16xf32> to vector<1xf32>
        %parallel_loop3A_405 = vector.extract %parallel_loop3A_404[0] : f32 from vector<1xf32>
        %parallel_loop3A_406 = arith.constant 0 : i32
        %parallel_loop3A_407 = arith.constant 128 : i32
        %parallel_loop3A_408 = arith.constant 1 : i32
        scf.for %parallel_loop3A_409 = %parallel_loop3A_406 to %parallel_loop3A_407 step %parallel_loop3A_408  : i32 {
          %parallel_loop3A_410 = arith.constant 16 : i32
          %parallel_loop3A_411 = arith.muli %parallel_loop3A_409, %parallel_loop3A_410 : i32
          %parallel_loop3A_412 = arith.constant 3 : i32
          %parallel_loop3A_413 = arith.index_cast %parallel_loop3A_412 : i32 to index
          %parallel_loop3A_414 = arith.index_cast %parallel_loop3A_392 : i32 to index
          %parallel_loop3A_415 = arith.index_cast %parallel_loop3A_411 : i32 to index
          %parallel_loop3A_416 = tpu.vector_load %arg7[%parallel_loop3A_413, %parallel_loop3A_414, %parallel_loop3A_415] {strides = array<i32>} : memref<4x8x2048xf32, #tpu.memory_space<vmem>>, vector<1x1x16xf32>,
          %parallel_loop3A_417 = vector.shape_cast %parallel_loop3A_416 : vector<1x1x16xf32> to vector<16xf32>
          %parallel_loop3A_418 = vector.broadcast %parallel_loop3A_405 : f32 to vector<16xf32>
          %parallel_loop3A_419 = arith.mulf %parallel_loop3A_417, %parallel_loop3A_418 : vector<16xf32>
          %parallel_loop3A_420 = arith.index_cast %parallel_loop3A_400 : i32 to index
          %parallel_loop3A_421 = arith.index_cast %parallel_loop3A_411 : i32 to index
          %parallel_loop3A_422 = tpu.vector_load %arg6[%parallel_loop3A_420, %parallel_loop3A_421] {strides = array<i32>} : memref<17x2048xf32, #tpu.memory_space<vmem>>, vector<1x16xf32>,
          %parallel_loop3A_423 = vector.shape_cast %parallel_loop3A_422 : vector<1x16xf32> to vector<16xf32>
          %parallel_loop3A_424 = arith.addf %parallel_loop3A_419, %parallel_loop3A_423 : vector<16xf32>
          %parallel_loop3A_425 = arith.constant 3 : i32
          %parallel_loop3A_426 = arith.index_cast %parallel_loop3A_425 : i32 to index
          %parallel_loop3A_427 = arith.index_cast %parallel_loop3A_392 : i32 to index
          %parallel_loop3A_428 = arith.index_cast %parallel_loop3A_411 : i32 to index
          %parallel_loop3A_429 = tpu.vector_load %arg7[%parallel_loop3A_426, %parallel_loop3A_427, %parallel_loop3A_428] {strides = array<i32>} : memref<4x8x2048xf32, #tpu.memory_space<vmem>>, vector<1x1x16xf32>,
          %parallel_loop3A_430 = vector.shape_cast %parallel_loop3A_429 : vector<1x1x16xf32> to vector<16xf32>
          %parallel_loop3A_431 = vector.shape_cast %parallel_loop3A_424 : vector<16xf32> to vector<1x1x16xf32>
          tpu.vector_store %arg7[%parallel_loop3A_426, %parallel_loop3A_427, %parallel_loop3A_428], %parallel_loop3A_431 {strides = array<i32>} : memref<4x8x2048xf32, #tpu.memory_space<vmem>>, vector<1x1x16xf32>,
        } {sc.loop_unroll_factor = 16 : i64, sc.parallel_access}
      } {sc.loop_unroll_factor = 1 : i64, sc.parallel_access}
      %mul3A_358 = arith.constant 8 : i32
      %mul3A_359 = arith.muli %add3A_335, %mul3A_358 : i32
      %add3A_360 = arith.addi %mul3A_2, %mul3A_359 : i32
      %dma_start3A_361 = arith.constant 3 : i32
      %dma_start3A_362 = arith.constant 3 : i32
      %dma_start3A_363 = arith.constant 0 : i32
      %dma_start3A_364 = arith.constant 0 : i32
      %dma_start3A_365 = tpu.memref_slice %arg7[%dma_start3A_361, %dma_start3A_363, %dma_start3A_364] : memref<4x8x2048xf32, #tpu.memory_space<vmem>> -> memref<1x8x2048xf32, #tpu.memory_space<vmem>>
      %dma_start3A_366 = tpu.memref_squeeze %dma_start3A_365 : memref<1x8x2048xf32, #tpu.memory_space<vmem>> -> memref<8x2048xf32, #tpu.memory_space<vmem>>
      %dma_start3A_367 = arith.constant 0 : i32
      %dma_start3A_368 = tpu.memref_slice %arg5[%add3A_360, %dma_start3A_367] : memref<16384x2048xf32, #tpu.memory_space<hbm>> -> memref<8x2048xf32, #tpu.memory_space<hbm>>
      %dma_start3A_369 = tpu.memref_slice %arg12[%dma_start3A_362] : memref<4x!tpu.dma_semaphore, #tpu.memory_space<semaphore_mem>> -> memref<1x!tpu.dma_semaphore, #tpu.memory_space<semaphore_mem>>
      %dma_start3A_370 = tpu.memref_squeeze %dma_start3A_369 : memref<1x!tpu.dma_semaphore, #tpu.memory_space<semaphore_mem>> -> memref<!tpu.dma_semaphore, #tpu.memory_space<semaphore_mem>>
      %dma_start3A_371 = arith.constant 0 : i32
      %dma_start3A_372 = tpu.memref_slice %arg5[%add3A_360, %dma_start3A_371] : memref<16384x2048xf32, #tpu.memory_space<hbm>> -> memref<8x2048xf32, #tpu.memory_space<hbm>>
      %dma_start3A_373 = arith.constant 0 : i32
      %dma_start3A_374 = arith.constant 0 : i32
      %dma_start3A_375 = tpu.memref_slice %arg7[%dma_start3A_361, %dma_start3A_373, %dma_start3A_374] : memref<4x8x2048xf32, #tpu.memory_space<vmem>> -> memref<1x8x2048xf32, #tpu.memory_space<vmem>>
      %dma_start3A_376 = tpu.memref_squeeze %dma_start3A_375 : memref<1x8x2048xf32, #tpu.memory_space<vmem>> -> memref<8x2048xf32, #tpu.memory_space<vmem>>
      tpu.enqueue_dma source(%dma_start3A_376 : memref<8x2048xf32, #tpu.memory_space<vmem>>) target(%dma_start3A_372 : memref<8x2048xf32, #tpu.memory_space<hbm>>) target_semaphore(%dma_start3A_370 : memref<!tpu.dma_semaphore, #tpu.memory_space<semaphore_mem>>)
      %ge3A_377 = arith.constant 1 : i32
      %ge3A_378 = arith.cmpi sge, %add3A_335, %ge3A_377 : i32
      %convert_element_type3A_379 = arith.extui %ge3A_378 : i1 to i32
      %cond3A_380 = arith.constant 0 : i32
      %cond3A_381 = arith.cmpi ne, %convert_element_type3A_379, %cond3A_380 : i32
      scf.if %cond3A_381 {
        %sub3A_392 = arith.constant 1 : i32
        %sub3A_393 = arith.subi %add3A_335, %sub3A_392 : i32
        %mul3A_394 = arith.constant 8 : i32
        %mul3A_395 = arith.muli %sub3A_393, %mul3A_394 : i32
        %add3A_396 = arith.addi %mul3A_2, %mul3A_395 : i32
        %dma_wait3A_397 = arith.constant 2 : i32
        %dma_wait3A_398 = arith.constant 2 : i32
        %dma_wait3A_399 = arith.constant 0 : i32
        %dma_wait3A_400 = arith.constant 0 : i32
        %dma_wait3A_401 = tpu.memref_slice %arg7[%dma_wait3A_397, %dma_wait3A_399, %dma_wait3A_400] : memref<4x8x2048xf32, #tpu.memory_space<vmem>> -> memref<1x8x2048xf32, #tpu.memory_space<vmem>>
        %dma_wait3A_402 = tpu.memref_squeeze %dma_wait3A_401 : memref<1x8x2048xf32, #tpu.memory_space<vmem>> -> memref<8x2048xf32, #tpu.memory_space<vmem>>
        %dma_wait3A_403 = arith.constant 0 : i32
        %dma_wait3A_404 = tpu.memref_slice %arg5[%add3A_396, %dma_wait3A_403] : memref<16384x2048xf32, #tpu.memory_space<hbm>> -> memref<8x2048xf32, #tpu.memory_space<hbm>>
        %dma_wait3A_405 = tpu.memref_slice %arg12[%dma_wait3A_398] : memref<4x!tpu.dma_semaphore, #tpu.memory_space<semaphore_mem>> -> memref<1x!tpu.dma_semaphore, #tpu.memory_space<semaphore_mem>>
        %dma_wait3A_406 = tpu.memref_squeeze %dma_wait3A_405 : memref<1x!tpu.dma_semaphore, #tpu.memory_space<semaphore_mem>> -> memref<!tpu.dma_semaphore, #tpu.memory_space<semaphore_mem>>
        %dma_wait3A_407 = arith.constant 0 : i32
        %dma_wait3A_408 = tpu.memref_slice %arg5[%add3A_396, %dma_wait3A_407] : memref<16384x2048xf32, #tpu.memory_space<hbm>> -> memref<8x2048xf32, #tpu.memory_space<hbm>>
        %dma_wait3A_409 = arith.constant 0 : i32
        %dma_wait3A_410 = arith.constant 0 : i32
        %dma_wait3A_411 = tpu.memref_slice %arg7[%dma_wait3A_397, %dma_wait3A_409, %dma_wait3A_410] : memref<4x8x2048xf32, #tpu.memory_space<vmem>> -> memref<1x8x2048xf32, #tpu.memory_space<vmem>>
        %dma_wait3A_412 = tpu.memref_squeeze %dma_wait3A_411 : memref<1x8x2048xf32, #tpu.memory_space<vmem>> -> memref<8x2048xf32, #tpu.memory_space<vmem>>
        tpu.wait_dma2 semaphore(%dma_wait3A_406 : memref<!tpu.dma_semaphore, #tpu.memory_space<semaphore_mem>>) src(%dma_wait3A_412 : memref<8x2048xf32, #tpu.memory_space<vmem>>) dst(%dma_wait3A_408 : memref<8x2048xf32, #tpu.memory_space<hbm>>)
      } else {
      }
      %add3A_382 = arith.constant 4 : i32
      %add3A_383 = arith.addi %add3A_335, %add3A_382 : i32
      %sub3A_384 = arith.constant 1 : i32
      %sub3A_385 = arith.subi %add3A_383, %sub3A_384 : i32
      %lt3A_386 = arith.constant 64 : i32
      %lt3A_387 = arith.cmpi slt, %sub3A_385, %lt3A_386 : i32
      %convert_element_type3A_388 = arith.extui %lt3A_387 : i1 to i32
      %cond3A_389 = arith.constant 0 : i32
      %cond3A_390 = arith.cmpi ne, %convert_element_type3A_388, %cond3A_389 : i32
      scf.if %cond3A_390 {
        %add3A_392 = arith.constant 4 : i32
        %add3A_393 = arith.addi %add3A_335, %add3A_392 : i32
        %sub3A_394 = arith.constant 1 : i32
        %sub3A_395 = arith.subi %add3A_393, %sub3A_394 : i32
        %mul3A_396 = arith.constant 8 : i32
        %mul3A_397 = arith.muli %sub3A_395, %mul3A_396 : i32
        %add3A_398 = arith.addi %mul3A_2, %mul3A_397 : i32
        %dma_start3A_399 = arith.constant 2 : i32
        %dma_start3A_400 = arith.constant 2 : i32
        %dma_start3A_401 = arith.constant 0 : i32
        %dma_start3A_402 = arith.constant 0 : i32
        %dma_start3A_403 = tpu.memref_slice %arg7[%dma_start3A_399, %dma_start3A_401, %dma_start3A_402] : memref<4x8x2048xf32, #tpu.memory_space<vmem>> -> memref<1x8x2048xf32, #tpu.memory_space<vmem>>
        %dma_start3A_404 = tpu.memref_squeeze %dma_start3A_403 : memref<1x8x2048xf32, #tpu.memory_space<vmem>> -> memref<8x2048xf32, #tpu.memory_space<vmem>>
        %dma_start3A_405 = arith.constant 0 : i32
        %dma_start3A_406 = tpu.memref_slice %arg3[%add3A_398, %dma_start3A_405] : memref<16384x2048xf32, #tpu.memory_space<hbm>> -> memref<8x2048xf32, #tpu.memory_space<hbm>>
        %dma_start3A_407 = tpu.memref_slice %arg11[%dma_start3A_400] : memref<4x!tpu.dma_semaphore, #tpu.memory_space<semaphore_mem>> -> memref<1x!tpu.dma_semaphore, #tpu.memory_space<semaphore_mem>>
        %dma_start3A_408 = tpu.memref_squeeze %dma_start3A_407 : memref<1x!tpu.dma_semaphore, #tpu.memory_space<semaphore_mem>> -> memref<!tpu.dma_semaphore, #tpu.memory_space<semaphore_mem>>
        %dma_start3A_409 = arith.constant 0 : i32
        %dma_start3A_410 = arith.constant 0 : i32
        %dma_start3A_411 = tpu.memref_slice %arg7[%dma_start3A_399, %dma_start3A_409, %dma_start3A_410] : memref<4x8x2048xf32, #tpu.memory_space<vmem>> -> memref<1x8x2048xf32, #tpu.memory_space<vmem>>
        %dma_start3A_412 = tpu.memref_squeeze %dma_start3A_411 : memref<1x8x2048xf32, #tpu.memory_space<vmem>> -> memref<8x2048xf32, #tpu.memory_space<vmem>>
        %dma_start3A_413 = arith.constant 0 : i32
        %dma_start3A_414 = tpu.memref_slice %arg3[%add3A_398, %dma_start3A_413] : memref<16384x2048xf32, #tpu.memory_space<hbm>> -> memref<8x2048xf32, #tpu.memory_space<hbm>>
        tpu.enqueue_dma source(%dma_start3A_414 : memref<8x2048xf32, #tpu.memory_space<hbm>>) target(%dma_start3A_412 : memref<8x2048xf32, #tpu.memory_space<vmem>>) target_semaphore(%dma_start3A_408 : memref<!tpu.dma_semaphore, #tpu.memory_space<semaphore_mem>>)
      } else {
      }
      %scan3A_391 = arith.constant 0 : i32
      scf.yield %scan3A_391 : i32
    }
    %scan3A_139 = arith.constant 16 : i32
    %add3A_140 = arith.constant 504 : i32
    %add3A_141 = arith.addi %mul3A_2, %add3A_140 : i32
    %dma_wait3A_142 = arith.constant 3 : i32
    %dma_wait3A_143 = arith.constant 3 : i32
    %dma_wait3A_144 = arith.constant 0 : i32
    %dma_wait3A_145 = arith.constant 0 : i32
    %dma_wait3A_146 = tpu.memref_slice %arg7[%dma_wait3A_142, %dma_wait3A_144, %dma_wait3A_145] : memref<4x8x2048xf32, #tpu.memory_space<vmem>> -> memref<1x8x2048xf32, #tpu.memory_space<vmem>>
    %dma_wait3A_147 = tpu.memref_squeeze %dma_wait3A_146 : memref<1x8x2048xf32, #tpu.memory_space<vmem>> -> memref<8x2048xf32, #tpu.memory_space<vmem>>
    %dma_wait3A_148 = arith.constant 0 : i32
    %dma_wait3A_149 = tpu.memref_slice %arg5[%add3A_141, %dma_wait3A_148] : memref<16384x2048xf32, #tpu.memory_space<hbm>> -> memref<8x2048xf32, #tpu.memory_space<hbm>>
    %dma_wait3A_150 = tpu.memref_slice %arg12[%dma_wait3A_143] : memref<4x!tpu.dma_semaphore, #tpu.memory_space<semaphore_mem>> -> memref<1x!tpu.dma_semaphore, #tpu.memory_space<semaphore_mem>>
    %dma_wait3A_151 = tpu.memref_squeeze %dma_wait3A_150 : memref<1x!tpu.dma_semaphore, #tpu.memory_space<semaphore_mem>> -> memref<!tpu.dma_semaphore, #tpu.memory_space<semaphore_mem>>
    %dma_wait3A_152 = arith.constant 0 : i32
    %dma_wait3A_153 = tpu.memref_slice %arg5[%add3A_141, %dma_wait3A_152] : memref<16384x2048xf32, #tpu.memory_space<hbm>> -> memref<8x2048xf32, #tpu.memory_space<hbm>>
    %dma_wait3A_154 = arith.constant 0 : i32
    %dma_wait3A_155 = arith.constant 0 : i32
    %dma_wait3A_156 = tpu.memref_slice %arg7[%dma_wait3A_142, %dma_wait3A_154, %dma_wait3A_155] : memref<4x8x2048xf32, #tpu.memory_space<vmem>> -> memref<1x8x2048xf32, #tpu.memory_space<vmem>>
    %dma_wait3A_157 = tpu.memref_squeeze %dma_wait3A_156 : memref<1x8x2048xf32, #tpu.memory_space<vmem>> -> memref<8x2048xf32, #tpu.memory_space<vmem>>
    tpu.wait_dma2 semaphore(%dma_wait3A_151 : memref<!tpu.dma_semaphore, #tpu.memory_space<semaphore_mem>>) src(%dma_wait3A_157 : memref<8x2048xf32, #tpu.memory_space<vmem>>) dst(%dma_wait3A_153 : memref<8x2048xf32, #tpu.memory_space<hbm>>)
    return
  }
}

</mosaic_0001>

<sc_bundles>
// kernel: _pos_embed.3.cloned.1.call-start
scs
__scs_entry_jumppad:
0x0: {  	(pc) =	sbr.rel $0x88, $3  }
0x1: {  	(tag) =	ssettag $0x0;
	lr =	simm.s32 $0x1  }
0x2: {  	[smem:$0x3F9E] =	sst lr;
	_ =	strace $0xD0000000  }
0x3: {  	_ = 	snop  }
0x4: {  	_ = 	snop  }
0x5: {  	_ = 	snop  }
0x6: {  	_ = 	snop  }
0x7: {  	_ = 	snop  }
__scs_overlays_trampoline_lowered:
0x8: {  	[smem:$0x3FAD] =	sst s0  }
0x9: {  	[smem:$0x3FAE] =	sst s1  }
0xa: {  	[smem:$0x3FAF] =	sst s2  }
0xb: {  	[smem:$0x3FB0] =	sst s3  }
0xc: {  	[smem:$0x3FB1] =	sst s4  }
0xd: {  	[smem:$0x3FB2] =	sst s5  }
0xe: {  	[smem:$0x3FB3] =	sst s6  }
0xf: {  	[smem:$0x3FB4] =	sst s7  }
0x10: {  	[smem:$0x3FB5] =	sst s8  }
0x11: {  	[smem:$0x3FB6] =	sst s9;
	s0 =	simm.s32 @!p0 $0x0  }
0x12: {  	s1 =	sld [smem:$0x3F9C];
	s0 =	simm.s32 @p0 $0x1  }
0x13: {  	[smem:$0x3FB7] =	sst s0;
	s0 =	simm.s32 @!p1 $0x0  }
0x14: {  	s2 =	sld [smem:$0x3F9B];
	s0 =	simm.s32 @p1 $0x1  }
0x15: {  	[smem:$0x3FB8] =	sst s0;
	s0 =	simm.s32 @!p2 $0x0  }
0x16: {  	s3 =	sld [smem:$0x3FDB];
	s0 =	simm.s32 @p2 $0x1  }
0x17: {  	s4 =	simm.s32 $0x1BF5;
	[smem:$0x3FBA] =	sst s0  }
0x18: {  	s0 =	sld [smem:$0x3F9D];
	_ =	swait.ge [sflag:s4], $0x0  }
0x19: {  	s7 =	sld [smem:$0x3F9E]  }
0x1a: {  	s8 =	sadd.s32 $0xFFFFE003, lr  }
0x1b: {  	s9 =	sadd.s32 $0xFFFFFEF7, lr;
	s5 =	simm.s32 $0xFFFFFFFF;
	p2 =	slt.u32 s8, $0xFFFFF086  }
0x1c: {  	p1 =	slt.u32 s9, $0xF7A;
	s5 =	simm.s32 @!p2 $0x0  }
0x1d: {  	s5 =	simm.s32 @p1 $0x1;
	p0 =	seq.s32 s7, s2  }
0x1e: {  	s7 =	smul.u32 @!p0 $0xF7A, s2;
	p2 =	seq.s32 @!p0 s5, $0x0  }
0x1f: {  	s9 =	smul.u32 $0xF7A, s1;
	s8 =	simm.s32 @!p0 $0x1BF5;
	p2 =	por !p2, p0  }
0x20: {  	[sflag:s8] =	ssyncset.s32 @!p0 $0xFFFFF086;
	s6 =	sadd.s32 @!p0 s3, s7;
	s7 =	simm.s32 @!p0 $0x108  }
0x21: {  	s3 =	sadd.s32 s3, s9;
	s6 =	sadd.s32 @!p0 $0x88, s6;
	s7 =	simm.s32 @p2 $0x1082  }
0x22: {  	[simem:s7], [sflag:s8] =	dma.local @!p0 [hbm:s6], $0xF7A  }
0x23: {  	s9 =	sor.u32 $0xD0000000, s2;
	s6 =	simm.s32 $0x108;
	_ =	swait.ge @!p0 [sflag:s8], $0x0  }
0x24: {  	s3 =	sadd.s32 $0x88, s3;
	s6 =	simm.s32 @!p1 $0x1082;
	[sflag:s4] =	ssyncset.s32 $0xFFFFF086  }
0x25: {  	[simem:s6], [sflag:s4] =	dma.local [hbm:s3], $0xF7A  }
0x26: {  	[smem:$0x3F9E] =	sst s1;
	(tag) =	ssettag s2;
	_ =	strace s9  }
0x27: {  	s1 =	sld [smem:$0x3FAE]  }
0x28: {  	s2 =	sld [smem:$0x3FAF]  }
0x29: {  	s4 =	sld [smem:$0x3FB1]  }
0x2a: {  	p0 =	seq.s32 s5, $0x0;
	s5 =	sld [smem:$0x3FB2]  }
0x2b: {  	s6 =	sld [smem:$0x3FB3]  }
0x2c: {  	s7 =	sld [smem:$0x3FB4]  }
0x2d: {  	s3 =	simm.s32 $0x108;
	s8 =	sld [smem:$0x3FB5]  }
0x2e: {  	s3 =	simm.s32 @!p0 $0x1082;
	s9 =	sld [smem:$0x3FB6]  }
0x2f: {  	lr =	sadd.s32 s0, s3;
	s0 =	sld [smem:$0x3FAD]  }
0x30: {  	s3 =	sld [smem:$0x3FB0]  }
0x31: {  	[smem:$0x3FB9] =	sst s10  }
0x32: {  	s10 =	sld [smem:$0x3FB7];
	_ =	sdelay $0x3  }
0x33: {  	p0 =	seq.s32 s10, $0x1;
	s10 =	sld [smem:$0x3FB9];
	_ =	sdelay $0x3  }
0x34: {  	[smem:$0x3FB9] =	sst s10  }
0x35: {  	s10 =	sld [smem:$0x3FB8];
	_ =	sdelay $0x3  }
0x36: {  	p1 =	seq.s32 s10, $0x1;
	s10 =	sld [smem:$0x3FB9];
	_ =	sdelay $0x3  }
0x37: {  	[smem:$0x3FB9] =	sst s10  }
0x38: {  	s10 =	sld [smem:$0x3FBA]  }
0x39: {  	_ = 	snop;
	(pc) =	sbr.ind lr, $3  }
0x3a: {  	_ = 	snop  }
0x3b: {  	_ = 	snop  }
0x3c: {  	p2 =	seq.s32 s10, $0x1;
	s10 =	sld [smem:$0x3FB9]  }
0x3d: {  	_ =	shalt  }
0x3e: {  	_ =	shalt  }
0x3f: {  	_ =	shalt  }
0x40: {  	_ =	shalt  }
0x41: {  	_ =	shalt  }
0x42: {  	_ =	shalt  }
0x43: {  	_ =	shalt  }
0x44: {  	_ =	shalt  }
0x45: {  	_ =	shalt  }
0x46: {  	_ =	shalt  }
0x47: {  	_ =	shalt  }
0x48: {  	_ =	shalt  }
0x49: {  	_ =	shalt  }
0x4a: {  	_ =	shalt  }
0x4b: {  	_ =	shalt  }
0x4c: {  	_ =	shalt  }
0x4d: {  	_ =	shalt  }
0x4e: {  	_ =	shalt  }
0x4f: {  	_ =	shalt  }
0x50: {  	_ =	shalt  }
0x51: {  	_ =	shalt  }
0x52: {  	_ =	shalt  }
0x53: {  	_ =	shalt  }
0x54: {  	_ =	shalt  }
0x55: {  	_ =	shalt  }
0x56: {  	_ =	shalt  }
0x57: {  	_ =	shalt  }
0x58: {  	_ =	shalt  }
0x59: {  	_ =	shalt  }
0x5a: {  	_ =	shalt  }
0x5b: {  	_ =	shalt  }
0x5c: {  	_ =	shalt  }
0x5d: {  	_ =	shalt  }
0x5e: {  	_ =	shalt  }
0x5f: {  	_ =	shalt  }
0x60: {  	_ =	shalt  }
0x61: {  	_ =	shalt  }
0x62: {  	_ =	shalt  }
0x63: {  	_ =	shalt  }
0x64: {  	_ =	shalt  }
0x65: {  	_ =	shalt  }
0x66: {  	_ =	shalt  }
0x67: {  	_ =	shalt  }
0x68: {  	_ =	shalt  }
0x69: {  	_ =	shalt  }
0x6a: {  	_ =	shalt  }
0x6b: {  	_ =	shalt  }
0x6c: {  	_ =	shalt  }
0x6d: {  	_ =	shalt  }
0x6e: {  	_ =	shalt  }
0x6f: {  	_ =	shalt  }
0x70: {  	_ =	shalt  }
0x71: {  	_ =	shalt  }
0x72: {  	_ =	shalt  }
0x73: {  	_ =	shalt  }
0x74: {  	_ =	shalt  }
0x75: {  	_ =	shalt  }
0x76: {  	_ =	shalt  }
0x77: {  	_ =	shalt  }
0x78: {  	_ =	shalt  }
0x79: {  	_ =	shalt  }
0x7a: {  	_ =	shalt  }
0x7b: {  	_ =	shalt  }
0x7c: {  	_ =	shalt  }
0x7d: {  	_ =	shalt  }
0x7e: {  	_ =	shalt  }
0x7f: {  	_ =	shalt  }
0x80: {  	_ =	shalt  }
0x81: {  	_ =	shalt  }
0x82: {  	_ =	shalt  }
0x83: {  	_ =	shalt  }
0x84: {  	_ =	shalt  }
0x85: {  	_ =	shalt  }
0x86: {  	_ =	shalt  }
0x87: {  	_ =	shalt  }
.Lfunc_end0:
.L_simem_size_0:
called_computation_lowered:
.L_overlay_start_0:
0x88: {  	s2 =	sld [smem:$0x3FD9]  }
0x89: {  	s3 =	sld [smem:$0x3FFE];
	_ =	sdelay $0x1  }
0x8a: {  	s1 =	srdreg.scid  }
0x8b: {  	s0 =	sand.u32 $0x1, s1  }
0x8c: {  	s18 =	sshll.u32 s0, $0xA;
	s2 =	sadd.s32 s3, s2  }
0x8d: {  	s2 =	sadd.s32 s2, s18  }
0x8e: {  	[smem:$0x3FC5] =	sst s2  }
0x8f: {  	_ = 	snop  }
0x90: {  	s2 =	sld [smem:$0x3FC9]  }
0x91: {  	s19 =	sld [smem:$0x3FC8]  }
0x92: {  	s4 =	sld [smem:$0x3FC7]  }
0x93: {  	s5 =	sld [smem:$0x3FD0];
	(tm) =	ssettm $0x1  }
0x94: {  	s6 =	sld [smem:$0x3FFB];
	_ =	sdelay $0x3  }
0x95: {  	_ =	strace s6  }
0x96: {  	s6 =	sld [smem:$0x3FFC];
	_ =	sdelay $0x3  }
0x97: {  	_ =	strace s6  }
0x98: {  	s6 =	sld [smem:$0x3FFD];
	_ =	sdelay $0x3  }
0x99: {  	_ =	strace s6  }
0x9a: {  	_ =	strace $0x8FFFFFFF  }
0x9b: {  	s20 =	sld [smem:$0x3FDB];
	_ =	sdelay $0x1  }
0x9c: {  	s7 =	simm.s32 $_scs_section_size  }
0x9d: {  	s8 =	simm.s32 $_size__tile_overlayer_lowered;
	s9 =	simm.s32 $_tile_overlayer_lowered  }
0x9e: {  	s23 =	simm.s32 $0x1BFF;
	s22 =	sshll.u32 s9, $0x1;
	s6 =	sadd.s32 s7, s20  }
0x9f: {  	s10 =	simm.s32 $0x0;
	s21 =	sshll.u32 s8, $0x1;
	s8 =	sadd.s32 s22, s6  }
0xa0: {  	[timem:s10], [sflag:s23] =	dma.local [hbm:s8], s21  }
0xa1: {  	_ =	swait.ge [sflag:s23], s21  }
0xa2: {  	s7 =	ssub.s32 $0x0, s21;
	[sflag:s23] =	ssyncset.done $0x0  }
0xa3: {  	[sflag:s23] =	ssyncadd.s32 s7;
	_ =	sdelay $0x1  }
0xa4: {  	s24 =	simm.s32 $0x1B8B  }
0xa5: {  	_ =	swait.ge [sflag:s24], $0x1  }
0xa6: {  	[sflag:s24] =	ssyncset.done $0x0  }
0xa7: {  	s25 =	simm.s32 $0x1B8E;
	[sflag:s24] =	ssyncadd.s32 $0xFFFFFFFF  }
0xa8: {  	s26 =	simm.s32 $execute0_lowered;
	[smem:$0x3FD2] =	sst s25  }
0xa9: {  	s7 =	sshll.u32 s26, $0x1;
	_ =	strace $0x80000046;
	[dreg:$0x1] =	wrdreg $0xFFFFFFFF  }
0xaa: {  	s28 =	simm.s32 $_size_execute0_lowered;
	s6 =	sadd.s32 s6, s7;
	[dreg:$0x0] =	wrdreg $0x0  }
0xab: {  	s7 =	sshll.u32 s28, $0x1;
	[dreg:$0x2] =	wrdreg s6  }
0xac: {  	[dreg:$0x3] =	wrdreg s7  }
0xad: {  	[dreg:$0x4] =	wrdreg $0xC0  }
0xae: {  	_ =	task [dreg:s10], $0x5FFFF  }
0xaf: {  	[dreg:$0x1] =	wrdreg $0xFFFFFFFF  }
0xb0: {  	[dreg:$0x0] =	wrdreg $0x60  }
0xb1: {  	[dreg:$0x2] =	wrdreg s2  }
0xb2: {  	[dreg:$0x3] =	wrdreg s19  }
0xb3: {  	[dreg:$0x4] =	wrdreg s4  }
0xb4: {  	[dreg:$0x5] =	wrdreg s5  }
0xb5: {  	[dreg:$0x6] =	wrdreg $0x9  }
0xb6: {  	_ =	task.clear_ibuf [dreg:s10], $0x7FFFF;
	_ =	strace $0x90000046  }
0xb7: {  	s29 =	simm.s32 $0x9;
	_ =	strace $0x80000048  }
0xb8: {  	_ =	swait.ge [sflag:s29], $0x1  }
0xb9: {  	[sflag:s29] =	ssyncadd.s32 $0xFFFFFFFF  }
0xba: {  	_ =	strace $0x90000048  }
0xbb: {  	_ =	sfence  }
0xbc: {  	s30 =	sld [smem:$0x0];
	_ =	sdelay $0x2  }
0xbd: {  	s31 =	sshll.u32 s1, $0xD;
	s1 =	sshrl.u32 s1, $0x2  }
0xbe: {  	s3 =	sand.u32 $0x4000, s31;
	s1 =	sadd.s32 s1, s30  }
0xbf: {  	s0 =	sor.u32 s3, s0;
	s1 =	sshll.u32 s1, $0x11  }
0xc0: {  	s0 =	sor.u32 s1, s0  }
0xc1: {  	s0 =	sadd.s32 $0x8F2B, s0  }
0xc2: {  	[sflag:s0] =	ssyncadd.remote.s32 $0x1  }
0xc3: {  	_ =	sfence.sel $0xFFFF  }
0xc4: {  	[dreg:$0x0] =	wrdreg $0xFFFFFFFF;
	(pc) =	sbr.abs _section_cstart, $3  }
0xc5: {  	[dreg:$0x1] =	wrdreg $0xFFFFFFFF  }
0xc6: {  	_ =	task.clear_ibuf [dreg:s10], $0x2FFFF;
	_ =	strace $0x9FFFFFFF  }
0xc7: {  	(tm) =	ssettm $0x7FFFFFFF  }
tec
execute0_lowered:
.L_overlay_start_1:
0x0: {  	(tag) =	ssettag $0x1  }
0x1: {  	s2 =	rddreg [dreg:$0x1];
	s0 =	srdreg.scid  }
0x2: {  	s1 =	stileid.u32;
	s5 =	rddreg [dreg:$0x3]  }
0x3: {  	s6 =	simm.s32 $0x0;
	s16 =	simm.s32 $0xC000;
	s17 =	simm.s32 $0x10000  }
0x4: {  	s18 =	simm.s32 $0x14000;
	s22 =	simm.s32 $0x1;
	s23 =	simm.s32 $0x18000  }
0x5: {  	s24 =	simm.s32 $0x2;
	s25 =	simm.s32 $0x5;
	s28 =	simm.s32 $0x6  }
0x6: {  	s29 =	simm.s32 $0x4;
	s30 =	simm.s32 $0x7;
	s0 =	sand.u32 $0x1, s0  }
0x7: {  	s1 =	sshll.u32 s1, $0xA;
	[smem:$0x7FF] =	sst s6;
	s3 =	sshll.u32 s0, $0x9  }
0x8: {  	s0 =	ssub.s32 $0x2, s0;
	_ =	strace $0x80000047;
	s7 =	sor.u32 s3, s1  }
0x9: {  	s26 =	sshrl.u32 s0, $0x1;
	s3 =	simm.s32 $0x0;
	s1 =	sshll.u32 s7, $0x8  }
.Ltmp0:
0xa: {  	s0 =	ssub.s32 s0, s26;
	s1 =	sadd.s32 s2, s1;
	(pc) =	sbr.rel .LBB2_1-.Ltmp0, $4  }
0xb: {  	s10 =	sshrl.u32 s7, $0x3;
	s0 =	smax.u32 s0, $0x1;
	[dreg:$0x5] =	wrdreg s1  }
0xc: {  	s26 =	simm.s32 $0x3;
	s31 =	sadd.s32 $0x800, s1;
	[dreg:$0x8] =	wrdreg s0  }
0xd: {  	s12 =	sor.u32 $0x4, s10;
	s1 =	sadd.s32 $0x1000, s1;
	[dreg:$0x6] =	wrdreg s31  }
0xe: {  	v0 =	vimm.f32 $0.0e+00;
	v1 =	vlaneseq.u32;
	v2 =	vimm.s32 $0x0;
	s13 =	sor.u32 $0x5, s10;
	s14 =	sor.u32 $0x6, s10;
	[dreg:$0x7] =	wrdreg s1  }
.LBB2_24:
0xf: {  	s1 =	simm.s32 $0x8  }
0x10: {  	_ =	swait.ge [sflag:s1], $0x4000  }
0x11: {  	s3 =	sadd.s32 $0x1, s3;
	s0 =	rddreg [dreg:$0x8]  }
0x12: {  	p0 =	sne.s32 s3, s0  }
.Ltmp1:
0x13: {  	_ = 	snop;
	(pc) =	sbr.rel @!p0 .LBB2_25-.Ltmp1, $3  }
0x14: {  	_ =	sdelay $0x1  }
0x15: {  	[sflag:s1] =	ssyncset.done $0x0  }
0x16: {  	[sflag:s1] =	ssyncadd.s32 $0xFFFFC000  }
.LBB2_1:
0x17: {  	s0 =	rddreg [dreg:$0x5]  }
0x18: {  	[tilespmem:s16], [sflag:$0x1] =	stream.linear.gather [hbm4b:s0+s6], $0x4000, $0x38;
	[tilespmem:$0x1C580] =	vst v63  }
0x19: {  	s11 =	rddreg [dreg:$0x6]  }
0x1a: {  	[tilespmem:s17], [sflag:$0x2] =	stream.linear.gather [hbm4b:s11+s6], $0x4000, $0x38;
	[tilespmem:$0x1C580] =	vst v63  }
0x1b: {  	s15 =	rddreg [dreg:$0x7]  }
0x1c: {  	[tilespmem:s18], [sflag:$0x3] =	stream.linear.gather [hbm4b:s15+s6], $0x4000, $0x38;
	[tilespmem:$0x1C580] =	vst v63  }
0x1d: {  	s19 =	rddreg [dreg:$0x0];
	s1 =	simm.s32 $0x1C000;
	s20 =	simm.s32 $0xA  }
0x1e: {  	[tilespmem:s1], [sflag:$0xA] =	stream.linear.gather [hbm4b:s19+s6], $0x80, $0x38;
	[tilespmem:$0x1C580] =	vst v63  }
0x1f: {  	_ =	swait.ge [sflag:s20], $0x80  }
0x20: {  	[sflag:s20] =	ssyncset.done $0x0  }
0x21: {  	s21 =	sand.u32 $0x70, s6;
	s31 =	sand.u32 $0x3C00, s6;
	[sflag:s20] =	ssyncadd.s32 $0xFFFFFF80  }
0x22: {  	s1 =	sor.u32 s21, s31;
	s0 =	rddreg [dreg:$0x2]  }
0x23: {  	[tilespmem:s6], [sflag:$0x9] =	stream.linear.gather [hbm4b:s0+s6], $0x8000, $0x38;
	[tilespmem:$0x1C580] =	vst v63  }
0x24: {  	s0 =	simm.s32 $0x10;
	[tilespmem:s1+$0x8000] =	vst v0;
	s1 =	simm.s32 $0x0  }
.LBB2_2:
0x25: {  	p0 =	sne.s32 s0, $0x7F0  }
.Ltmp2:
0x26: {  	_ = 	snop;
	(pc) =	sbr.rel @p0 .LBB2_2-.Ltmp2, $4  }
0x27: {  	s1 =	sadd.s32 $0x80, s1  }
0x28: {  	s4 =	sand.u32 $0x70, s0;
	s8 =	sand.u32 $0x3C00, s1  }
0x29: {  	s4 =	sor.u32 s4, s8  }
0x2a: {  	s0 =	sadd.s32 $0x10, s0;
	[tilespmem:s4+$0x8000] =	vst v0  }
0x2b: {  	v3 =	vld [tilespmem:$0x1C000];
	_ =	sdelay $0x4  }
0x2c: {  	v4 =	vcvt.s32.f32 v3;
	_ =	sdelay $0x1  }
0x2d: {  	(v2sf) =	vpush v3, $0x0;
	(erf) = vrcp.f32 v4  }
0x2e: {  	(v2sf) =	vpush v3, $0x1  }
0x2f: {  	(v2sf) =	vpush v3, $0x2  }
0x30: {  	(v2sf) =	vpush v3, $0x3  }
0x31: {  	(v2sf) =	vpush v3, $0x4  }
0x32: {  	(v2sf) =	vpush v3, $0x5  }
0x33: {  	(v2sf) =	vpush v3, $0x6;
	_ =	sdelay $0x1  }
0x34: {  	(v2sf) =	vpush v3, $0x7  }
0x35: {  	vm0 =	vgt.s32 v3, $0x0;
	(v2sf) =	vpush v3, $0x8;
	v4 =	vpop (erf)  }
0x36: {  	v18 =	vbroadcast v3, $0x0;
	(v2sf) =	vpush v3, $0x9;
	v33 =	vnsel vm0, $0x3F800000, v4  }
0x37: {  	v35 =	vor.u32 s7, v1;
	v17 =	vbroadcast v33, $0x0;
	v14 =	vbroadcast v33, $0x1  }
0x38: {  	(v2sf) =	vpush v3, $0xA;
	v16 =	vbroadcast v33, $0x2;
	v12 =	vbroadcast v33, $0x3  }
0x39: {  	(v2sf) =	vpush v3, $0xB;
	v15 =	vbroadcast v33, $0x4;
	v11 =	vbroadcast v33, $0x5  }
0x3a: {  	(v2sf) =	vpush v3, $0xC;
	v13 =	vbroadcast v33, $0x6;
	v9 =	vbroadcast v33, $0x7  }
0x3b: {  	vm0 =	vle.s32 v18, v35;
	v10 =	vbroadcast v33, $0x8;
	v8 =	vbroadcast v33, $0x9;
	s0 =	spop (v2sf)  }
0x3c: {  	(v2sf) =	vpush v3, $0xD;
	v7 =	vbroadcast v33, $0xA;
	v6 =	vbroadcast v33, $0xB;
	s1 =	spop (v2sf)  }
0x3d: {  	v5 =	vbroadcast v33, $0xC;
	v4 =	vbroadcast v33, $0xD;
	(v2sf) =	vpush v3, $0xE;
	s4 =	spop (v2sf);
	s0 =	sadd.s32 s1, s0  }
0x3e: {  	v36 =	vsel vm0, $0x1, v2;
	(v2sf) =	vpush v3, $0xF;
	s31 =	spop (v2sf);
	s4 =	sadd.s32 s4, s0;
	v23 =	vmov s0  }
0x3f: {  	v3 =	vbroadcast v33, $0xE;
	s8 =	spop (v2sf);
	s1 =	sadd.s32 s31, s4;
	v24 =	vmov s4;
	vm1 =	vle.s32 v23, v35  }
0x40: {  	s9 =	spop (v2sf);
	s8 =	sadd.s32 s8, s1;
	v26 =	vmov s1;
	vm2 =	vle.s32 v24, v35;
	v37 =	vsel vm1, $0x1, v2  }
0x41: {  	s11 =	spop (v2sf);
	s9 =	sadd.s32 s9, s8;
	v30 =	vmov s8;
	vm0 =	vle.s32 v26, v35;
	v38 =	vsel vm2, $0x1, v2  }
0x42: {  	v36 =	vadd.s32 v37, v36;
	s11 =	sadd.s32 s11, s9;
	v31 =	vmov s9;
	vm1 =	vle.s32 v30, v35  }
0x43: {  	s15 =	spop (v2sf);
	v48 =	vsel vm0, $0x1, v2;
	v36 =	vadd.s32 v38, v36;
	v32 =	vmov s11  }
0x44: {  	s19 =	spop (v2sf);
	s15 =	sadd.s32 s15, s11;
	vm0 =	vle.s32 v31, v35;
	v49 =	vsel vm1, $0x1, v2;
	v36 =	vadd.s32 v48, v36  }
0x45: {  	s20 =	spop (v2sf);
	s19 =	sadd.s32 s19, s15;
	v34 =	vmov s15;
	vm1 =	vle.s32 v32, v35;
	v50 =	vsel vm0, $0x1, v2  }
0x46: {  	v36 =	vadd.s32 v49, v36;
	s4 =	sadd.s32 s20, s19;
	v21 =	vmov s19;
	vm0 =	vle.s32 v34, v35  }
0x47: {  	s1 =	spop (v2sf);
	v36 =	vadd.s32 v50, v36;
	v51 =	vsel vm1, $0x1, v2;
	v19 =	vmov s4  }
0x48: {  	s9 =	spop (v2sf);
	s0 =	sadd.s32 s1, s4;
	v36 =	vadd.s32 v51, v36;
	v52 =	vsel vm0, $0x1, v2;
	vm0 =	vle.s32 v21, v35  }
0x49: {  	s11 =	spop (v2sf);
	s4 =	sadd.s32 s9, s0;
	v20 =	vmov s0;
	v36 =	vadd.s32 v52, v36;
	v53 =	vsel vm0, $0x1, v2  }
0x4a: {  	vm0 =	vle.s32 v19, v35;
	s1 =	sadd.s32 s11, s4;
	v22 =	vmov s4;
	v36 =	vadd.s32 v53, v36  }
0x4b: {  	s15 =	spop (v2sf);
	v54 =	vsel vm0, $0x1, v2;
	vm0 =	vle.s32 v20, v35;
	v25 =	vmov s1  }
0x4c: {  	s19 =	spop (v2sf);
	s0 =	sadd.s32 s15, s1;
	v36 =	vadd.s32 v54, v36;
	v55 =	vsel vm0, $0x1, v2;
	vm0 =	vle.s32 v22, v35  }
0x4d: {  	s20 =	sadd.s32 s19, s0;
	s21 =	spop (v2sf);
	v27 =	vmov s0;
	v36 =	vadd.s32 v55, v36;
	v56 =	vsel vm0, $0x1, v2  }
0x4e: {  	vm0 =	vle.s32 v25, v35;
	s31 =	sadd.s32 s21, s20;
	v28 =	vmov s20;
	v36 =	vadd.s32 v56, v36  }
0x4f: {  	v57 =	vsel vm0, $0x1, v2;
	vm0 =	vle.s32 v27, v35;
	v29 =	vmov s31  }
0x50: {  	v36 =	vadd.s32 v57, v36;
	v58 =	vsel vm0, $0x1, v2;
	vm0 =	vle.s32 v28, v35  }
0x51: {  	s4 =	sadd.s32 $0x10, s7;
	v37 =	vadd.s32 v58, v36;
	v59 =	vsel vm0, $0x1, v2;
	vm0 =	vle.s32 v29, v35  }
0x52: {  	v36 =	vor.u32 s4, v1;
	v60 =	vadd.s32 v59, v37;
	v61 =	vsel vm0, $0x1, v2  }
0x53: {  	v33 =	vbroadcast v33, $0xF;
	vm0 =	vle.s32 v34, v36;
	v35 =	vadd.s32 v61, v60  }
0x54: {  	vm4 =	vle.s32 v31, v36;
	vm1 =	vle.s32 v32, v36;
	vm2 =	veq.s32 v35, $0x0  }
0x55: {  	vm5 =	vle.s32 v30, v36;
	v62 =	vnsel vm2, $0x3F800000, v17;
	vm2 =	veq.s32 v35, $0x1  }
0x56: {  	vm6 =	vle.s32 v26, v36;
	v37 =	vsel vm2, v14, v62;
	vm2 =	veq.s32 v35, $0x2  }
0x57: {  	vm7 =	vle.s32 v24, v36;
	vm3 =	veq.s32 v35, $0x3;
	v37 =	vsel vm2, v16, v37  }
0x58: {  	v38 =	vsel vm5, $0x1, v2;
	vm8 =	veq.s32 v35, $0x4;
	v37 =	vsel vm3, v12, v37  }
0x59: {  	v40 =	vsel vm6, $0x1, v2;
	vm15 =	veq.s32 v35, $0x5;
	v63 =	vsel vm8, v15, v37  }
0x5a: {  	v37 =	vsel vm4, $0x1, v2;
	vm4 =	veq.s32 v35, $0x6;
	v39 =	vsel vm15, v11, v63  }
0x5b: {  	v41 =	vsel vm7, $0x1, v2;
	v39 =	vsel vm4, v13, v39;
	vm4 =	veq.s32 v35, $0x7  }
0x5c: {  	vm2 =	vle.s32 v18, v36;
	v39 =	vsel vm4, v9, v39;
	vm4 =	veq.s32 v35, $0x8  }
0x5d: {  	s8 =	simm.s32 $0x80;
	s1 =	simm.s32 $0x0;
	s0 =	simm.s32 $0x40;
	vm3 =	vle.s32 v23, v36;
	v39 =	vsel vm4, v10, v39;
	vm4 =	veq.s32 v35, $0x9  }
.LBB2_4:
0x5e: {  	p0 =	sne.s32 s8, $0x7C0;
	v42 =	vsel vm2, $0x1, v2;
	v39 =	vsel vm4, v8, v39;
	vm2 =	veq.s32 v35, $0xA  }
0x5f: {  	v43 =	vsel vm3, $0x1, v2;
	v39 =	vsel vm2, v7, v39;
	vm2 =	veq.s32 v35, $0xB  }
0x60: {  	v42 =	vadd.s32 v43, v42;
	v39 =	vsel vm2, v6, v39;
	vm2 =	veq.s32 v35, $0xC  }
0x61: {  	v41 =	vadd.s32 v41, v42;
	v39 =	vsel vm2, v5, v39;
	vm2 =	veq.s32 v35, $0xD  }
0x62: {  	v40 =	vadd.s32 v40, v41;
	v39 =	vsel vm2, v4, v39;
	vm2 =	veq.s32 v35, $0xE  }
0x63: {  	v38 =	vadd.s32 v38, v40;
	v39 =	vsel vm2, v3, v39;
	vm2 =	veq.s32 v35, $0xF  }
0x64: {  	s9 =	sshra.s32 s1, $0x2;
	s1 =	smov.u32 s0;
	s0 =	smov.u32 s8;
	v37 =	vadd.s32 v37, v38;
	v38 =	vsel vm1, $0x1, v2;
	v39 =	vsel vm2, v33, v39  }
0x65: {  	v37 =	vadd.s32 v38, v37;
	v38 =	vsel vm0, $0x1, v2;
	vm0 =	vle.s32 v21, v36;
	[tilespmem:s9+$0x1C300] =	vst v39  }
0x66: {  	v37 =	vadd.s32 v38, v37;
	v38 =	vsel vm0, $0x1, v2;
	vm0 =	vle.s32 v19, v36;
	[tilespmem:s9+$0x1C080] =	vst v35  }
0x67: {  	v35 =	vadd.s32 v38, v37;
	v37 =	vsel vm0, $0x1, v2;
	vm0 =	vle.s32 v20, v36  }
0x68: {  	v35 =	vadd.s32 v37, v35;
	v37 =	vsel vm0, $0x1, v2;
	vm0 =	vle.s32 v22, v36  }
0x69: {  	v35 =	vadd.s32 v37, v35;
	v37 =	vsel vm0, $0x1, v2;
	vm0 =	vle.s32 v25, v36  }
0x6a: {  	v35 =	vadd.s32 v37, v35;
	v37 =	vsel vm0, $0x1, v2;
	vm0 =	vle.s32 v27, v36  }
0x6b: {  	v35 =	vadd.s32 v37, v35;
	v37 =	vsel vm0, $0x1, v2;
	vm0 =	vle.s32 v28, v36  }
0x6c: {  	s4 =	sadd.s32 $0x10, s4;
	v35 =	vadd.s32 v37, v35;
	v37 =	vsel vm0, $0x1, v2;
	vm0 =	vle.s32 v29, v36  }
0x6d: {  	v36 =	vor.u32 s4, v1;
	v35 =	vadd.s32 v37, v35;
	v37 =	vsel vm0, $0x1, v2  }
0x6e: {  	vm0 =	vle.s32 v34, v36;
	v35 =	vadd.s32 v37, v35  }
0x6f: {  	vm4 =	vle.s32 v31, v36;
	vm1 =	vle.s32 v32, v36;
	vm2 =	veq.s32 v35, $0x0  }
0x70: {  	vm5 =	vle.s32 v30, v36;
	v37 =	vnsel vm2, $0x3F800000, v17;
	vm2 =	veq.s32 v35, $0x1  }
0x71: {  	vm6 =	vle.s32 v26, v36;
	v37 =	vsel vm2, v14, v37;
	vm2 =	veq.s32 v35, $0x2  }
0x72: {  	vm7 =	vle.s32 v24, v36;
	vm3 =	veq.s32 v35, $0x3;
	v37 =	vsel vm2, v16, v37  }
0x73: {  	vm8 =	veq.s32 v35, $0x4;
	vm2 =	vle.s32 v18, v36;
	v37 =	vsel vm3, v12, v37  }
.Ltmp3:
0x74: {  	vm3 =	vle.s32 v23, v36;
	v38 =	vsel vm8, v15, v37;
	vm8 =	veq.s32 v35, $0x5;
	(pc) =	sbr.rel @p0 .LBB2_4-.Ltmp3, $4  }
0x75: {  	v37 =	vsel vm4, $0x1, v2;
	vm4 =	veq.s32 v35, $0x6;
	v39 =	vsel vm8, v11, v38  }
0x76: {  	v38 =	vsel vm5, $0x1, v2;
	v39 =	vsel vm4, v13, v39;
	vm4 =	veq.s32 v35, $0x7  }
0x77: {  	v40 =	vsel vm6, $0x1, v2;
	v39 =	vsel vm4, v9, v39;
	vm4 =	veq.s32 v35, $0x8  }
0x78: {  	s8 =	sadd.s32 $0x40, s8;
	v41 =	vsel vm7, $0x1, v2;
	v39 =	vsel vm4, v10, v39;
	vm4 =	veq.s32 v35, $0x9  }
0x79: {  	v18 =	vsel vm2, $0x1, v2;
	v23 =	vsel vm3, $0x1, v2  }
0x7a: {  	v18 =	vadd.s32 v23, v18  }
0x7b: {  	v18 =	vadd.s32 v41, v18  }
0x7c: {  	v18 =	vadd.s32 v40, v18  }
0x7d: {  	v18 =	vadd.s32 v38, v18  }
0x7e: {  	v44 =	vsel vm1, $0x1, v2;
	v18 =	vadd.s32 v37, v18  }
0x7f: {  	v45 =	vsel vm0, $0x1, v2;
	vm9 =	vle.s32 v21, v36;
	v18 =	vadd.s32 v44, v18  }
0x80: {  	vm10 =	vle.s32 v19, v36;
	v21 =	vsel vm9, $0x1, v2;
	v18 =	vadd.s32 v45, v18  }
0x81: {  	vm11 =	vle.s32 v20, v36;
	v19 =	vsel vm10, $0x1, v2;
	v18 =	vadd.s32 v21, v18  }
0x82: {  	vm12 =	vle.s32 v22, v36;
	v46 =	vsel vm11, $0x1, v2;
	v18 =	vadd.s32 v19, v18  }
0x83: {  	vm13 =	vle.s32 v25, v36;
	v47 =	vsel vm12, $0x1, v2;
	v18 =	vadd.s32 v46, v18  }
0x84: {  	vm14 =	vle.s32 v27, v36;
	v48 =	vsel vm13, $0x1, v2;
	v18 =	vadd.s32 v47, v18  }
0x85: {  	vm15 =	vle.s32 v28, v36;
	v49 =	vsel vm14, $0x1, v2;
	v18 =	vadd.s32 v48, v18  }
0x86: {  	vm5 =	vle.s32 v29, v36;
	v50 =	vsel vm15, $0x1, v2;
	v18 =	vadd.s32 v49, v18  }
0x87: {  	v51 =	vsel vm5, $0x1, v2;
	v18 =	vadd.s32 v50, v18  }
0x88: {  	v18 =	vadd.s32 v51, v18  }
0x89: {  	vm6 =	veq.s32 v18, $0x0  }
0x8a: {  	vm7 =	veq.s32 v18, $0x1;
	v17 =	vnsel vm6, $0x3F800000, v17  }
0x8b: {  	v52 =	vsel vm4, v8, v39;
	vm8 =	veq.s32 v18, $0x2;
	v14 =	vsel vm7, v14, v17  }
0x8c: {  	vm9 =	veq.s32 v35, $0xA;
	vm10 =	veq.s32 v18, $0x3;
	v14 =	vsel vm8, v16, v14  }
0x8d: {  	vm12 =	veq.s32 v35, $0xB;
	vm11 =	veq.s32 v18, $0x4;
	v12 =	vsel vm10, v12, v14  }
0x8e: {  	vm15 =	veq.s32 v35, $0xC;
	vm13 =	veq.s32 v18, $0x5;
	v12 =	vsel vm11, v15, v12  }
0x8f: {  	v53 =	vsel vm9, v7, v52;
	vm14 =	veq.s32 v18, $0x6;
	v11 =	vsel vm13, v11, v12  }
0x90: {  	vm9 =	veq.s32 v35, $0xE;
	vm4 =	veq.s32 v18, $0x7;
	v11 =	vsel vm14, v13, v11  }
0x91: {  	v54 =	vsel vm12, v6, v53;
	vm5 =	veq.s32 v18, $0x8;
	v9 =	vsel vm4, v9, v11  }
0x92: {  	vm12 =	veq.s32 v35, $0xF;
	vm7 =	veq.s32 v18, $0x9;
	v9 =	vsel vm5, v10, v9  }
0x93: {  	v55 =	vsel vm15, v5, v54;
	vm8 =	veq.s32 v18, $0xA;
	v57 =	vsel vm7, v8, v9  }
0x94: {  	vm6 =	veq.s32 v35, $0xD;
	vm10 =	veq.s32 v18, $0xB;
	v58 =	vsel vm8, v7, v57  }
0x95: {  	v56 =	vsel vm6, v4, v55;
	vm11 =	veq.s32 v18, $0xC;
	v60 =	vsel vm10, v6, v58  }
0x96: {  	s1 =	sshra.s32 s1, $0x2;
	v59 =	vsel vm9, v3, v56;
	vm13 =	veq.s32 v18, $0xD;
	v61 =	vsel vm11, v5, v60  }
0x97: {  	[tilespmem:s1+$0x1C080] =	vst v35;
	v62 =	vsel vm12, v33, v59;
	vm14 =	veq.s32 v18, $0xE;
	v63 =	vsel vm13, v4, v61  }
0x98: {  	s0 =	sshra.s32 s0, $0x2;
	vm15 =	veq.s32 v18, $0xF;
	[tilespmem:s1+$0x1C300] =	vst v62;
	v3 =	vsel vm14, v3, v63  }
0x99: {  	[tilespmem:s0+$0x1C080] =	vst v18;
	v3 =	vsel vm15, v33, v3  }
0x9a: {  	s31 =	simm.s32 $0x9;
	[tilespmem:s0+$0x1C300] =	vst v3  }
0x9b: {  	_ =	swait.ge [sflag:s31], $0x8000  }
0x9c: {  	[sflag:s31] =	ssyncset.done $0x0  }
0x9d: {  	s0 =	simm.s32 $0x0;
	[sflag:s31] =	ssyncadd.s32 $0xFFFF8000  }
.LBB2_6:
0x9e: {  	_ =	swait.ge [sflag:s22], $0x4000  }
0x9f: {  	s19 =	sshll.u32 s0, $0x5;
	[sflag:s22] =	ssyncset.done $0x0  }
0xa0: {  	s1 =	simm.s32 $0xC400;
	s4 =	simm.s32 $0x0;
	[sflag:s22] =	ssyncadd.s32 $0xFFFFC000  }
.LBB2_7:
0xa1: {  	s8 =	sor.u32 s19, s4  }
0xa2: {  	v3 =	vld [tilespmem:s8+$0x1C080];
	_ =	sdelay $0x4  }
0xa3: {  	(v2sf) =	vpush v3, $0x0;
	_ =	sdelay $0x3  }
0xa4: {  	v4 =	vld [tilespmem:s1+$0x70]  }
0xa5: {  	v5 =	vld [tilespmem:s1+$0xFFFFFC10]  }
0xa6: {  	v7 =	vld [tilespmem:s1+$0xFFFFFC20]  }
0xa7: {  	v8 =	vld [tilespmem:s1+$0xFFFFFC30]  }
0xa8: {  	v9 =	vld [tilespmem:s1+$0xFFFFFC40]  }
0xa9: {  	v10 =	vld [tilespmem:s1+$0xFFFFFC50]  }
0xaa: {  	v11 =	vld [tilespmem:s1+$0xFFFFFC60]  }
0xab: {  	v12 =	vld [tilespmem:s1+$0xFFFFFC70]  }
0xac: {  	v13 =	vld [tilespmem:s1+$0x0]  }
0xad: {  	v14 =	vld [tilespmem:s1+$0x10]  }
0xae: {  	v15 =	vld [tilespmem:s1+$0x20]  }
0xaf: {  	v16 =	vld [tilespmem:s1+$0x30];
	s9 =	spop (v2sf)  }
0xb0: {  	v17 =	vld [tilespmem:s1+$0x40];
	s11 =	sshll.u32 s9, $0xD;
	s9 =	sand.u32 $0x7, s9  }
0xb1: {  	v18 =	vld [tilespmem:s1+$0x50];
	s11 =	sand.u32 $0xFFFF0000, s11;
	s9 =	sshll.u32 s9, $0x9  }
0xb2: {  	v19 =	vld [tilespmem:s1+$0x60];
	s31 =	sor.u32 s9, s11  }
0xb3: {  	v3 =	vld.msk [tilespmem:s8+$0x1C300 ss:$0x0], $0xffff;
	s8 =	sshra.s32 s31, $0x2  }
0xb4: {  	v20 =	vld [tilespmem:s1+$0xFFFFFC00];
	s8 =	sor.u32 $0x400, s8  }
0xb5: {  	v6 =	vld [tilespmem:s8+$0x70]  }
0xb6: {  	v21 =	vld [tilespmem:s8+$0xFFFFFC00]  }
0xb7: {  	v22 =	vld [tilespmem:s8+$0xFFFFFC10]  }
0xb8: {  	v23 =	vld [tilespmem:s8+$0xFFFFFC20]  }
0xb9: {  	v4 =	vmul.f32 v4, v3;
	v24 =	vld [tilespmem:s8+$0xFFFFFC30]  }
0xba: {  	v20 =	vmul.f32 v20, v3;
	v25 =	vld [tilespmem:s8+$0xFFFFFC40]  }
0xbb: {  	v5 =	vmul.f32 v5, v3;
	v58 =	vld [tilespmem:s8+$0xFFFFFC60];
	v4 =	vadd.f32 v6, v4  }
0xbc: {  	v7 =	vmul.f32 v7, v3;
	v6 =	vld [tilespmem:s8+$0xFFFFFC50];
	v20 =	vadd.f32 v21, v20  }
0xbd: {  	v59 =	vld [tilespmem:s8+$0xFFFFFC70];
	v5 =	vadd.f32 v22, v5;
	[tilespmem:s1+$0x70] =	vst v4;
	v4 =	vmul.f32 v8, v3  }
0xbe: {  	v60 =	vld [tilespmem:s8+$0x0];
	v7 =	vadd.f32 v23, v7;
	v8 =	vmul.f32 v9, v3;
	[tilespmem:s1+$0xFFFFFC00] =	vst v20  }
0xbf: {  	v10 =	vmul.f32 v10, v3;
	v11 =	vmul.f32 v11, v3;
	v61 =	vld [tilespmem:s8+$0x10];
	[tilespmem:s1+$0xFFFFFC10] =	vst v5;
	v4 =	vadd.f32 v24, v4  }
0xc0: {  	v12 =	vmul.f32 v12, v3;
	v13 =	vmul.f32 v13, v3;
	[tilespmem:s1+$0xFFFFFC20] =	vst v7;
	v9 =	vld [tilespmem:s8+$0x20];
	v62 =	vadd.f32 v25, v8  }
0xc1: {  	v8 =	vmul.f32 v15, v3;
	v15 =	vadd.f32 v58, v11;
	v7 =	vadd.f32 v6, v10;
	v10 =	vld [tilespmem:s8+$0x30];
	[tilespmem:s1+$0xFFFFFC30] =	vst v4  }
0xc2: {  	v63 =	vmul.f32 v14, v3;
	v14 =	vadd.f32 v59, v12;
	v11 =	vld [tilespmem:s8+$0x40];
	[tilespmem:s1+$0xFFFFFC40] =	vst v62  }
0xc3: {  	v12 =	vld [tilespmem:s8+$0x50];
	v5 =	vmul.f32 v16, v3;
	v16 =	vadd.f32 v60, v13;
	v6 =	vmul.f32 v17, v3;
	[tilespmem:s1+$0xFFFFFC60] =	vst v15  }
0xc4: {  	s15 =	sadd.s32 $0x800, s1;
	s11 =	simm.s32 $0x0;
	s9 =	smov.u32 s1;
	v13 =	vld [tilespmem:s8+$0x60];
	v4 =	vmul.f32 v18, v3;
	v15 =	vadd.f32 v61, v63;
	[tilespmem:s1+$0xFFFFFC50] =	vst v7;
	v7 =	vmul.f32 v19, v3  }
.LBB2_8:
0xc5: {  	v17 =	vld [tilespmem:s15+$0x70];
	s11 =	sadd.s32 $0x10, s11;
	[tilespmem:s9+$0xFFFFFC70] =	vst v14;
	v8 =	vadd.f32 v9, v8  }
0xc6: {  	s8 =	sadd.s32 $0x800, s8;
	v9 =	vld [tilespmem:s15+$0xFFFFFC10];
	p0 =	slt.u32 s11, $0x70;
	[tilespmem:s9+$0x0] =	vst v16;
	v5 =	vadd.f32 v10, v5  }
0xc7: {  	v10 =	vld [tilespmem:s8+$0x70];
	[tilespmem:s9+$0x10] =	vst v15;
	v6 =	vadd.f32 v11, v6  }
0xc8: {  	v11 =	vld [tilespmem:s15+$0xFFFFFC20];
	[tilespmem:s9+$0x20] =	vst v8;
	v4 =	vadd.f32 v12, v4  }
0xc9: {  	v8 =	vld [tilespmem:s15+$0xFFFFFC30];
	[tilespmem:s9+$0x30] =	vst v5;
	v5 =	vadd.f32 v13, v7  }
0xca: {  	v7 =	vld [tilespmem:s15+$0xFFFFFC40];
	v12 =	vmul.f32 v17, v3;
	[tilespmem:s9+$0x40] =	vst v6  }
0xcb: {  	v9 =	vmul.f32 v9, v3;
	v6 =	vld [tilespmem:s15+$0xFFFFFC50];
	[tilespmem:s9+$0x50] =	vst v4  }
0xcc: {  	v4 =	vld [tilespmem:s15+$0xFFFFFC60];
	v10 =	vadd.f32 v10, v12;
	[tilespmem:s9+$0x60] =	vst v5;
	s9 =	smov.u32 s15  }
0xcd: {  	v11 =	vmul.f32 v11, v3;
	v5 =	vld [tilespmem:s15+$0xFFFFFC70]  }
0xce: {  	v12 =	vmul.f32 v8, v3;
	v8 =	vld [tilespmem:s15+$0x0];
	[tilespmem:s15+$0x70] =	vst v10  }
0xcf: {  	v10 =	vmul.f32 v7, v3;
	v7 =	vld [tilespmem:s15+$0x10]  }
0xd0: {  	v13 =	vmul.f32 v6, v3;
	v6 =	vld [tilespmem:s15+$0x20]  }
0xd1: {  	v14 =	vmul.f32 v4, v3;
	v4 =	vld [tilespmem:s15+$0x30]  }
0xd2: {  	v15 =	vmul.f32 v5, v3;
	v16 =	vld [tilespmem:s15+$0x40]  }
0xd3: {  	v17 =	vmul.f32 v8, v3;
	v18 =	vld [tilespmem:s15+$0x50]  }
0xd4: {  	v19 =	vmul.f32 v7, v3;
	v7 =	vld [tilespmem:s15+$0x60]  }
0xd5: {  	v20 =	vld [tilespmem:s15+$0xFFFFFC00];
	v8 =	vmul.f32 v6, v3  }
0xd6: {  	v21 =	vld [tilespmem:s8+$0xFFFFFC00];
	v5 =	vmul.f32 v4, v3  }
0xd7: {  	v22 =	vld [tilespmem:s8+$0xFFFFFC10];
	v6 =	vmul.f32 v16, v3  }
0xd8: {  	v16 =	vld [tilespmem:s8+$0xFFFFFC20];
	v4 =	vmul.f32 v18, v3  }
0xd9: {  	v18 =	vld [tilespmem:s8+$0xFFFFFC30];
	v7 =	vmul.f32 v7, v3  }
0xda: {  	v20 =	vmul.f32 v20, v3;
	v23 =	vld [tilespmem:s8+$0xFFFFFC40]  }
0xdb: {  	v24 =	vld [tilespmem:s8+$0xFFFFFC50]  }
0xdc: {  	v20 =	vadd.f32 v21, v20;
	v9 =	vadd.f32 v22, v9;
	v21 =	vld [tilespmem:s8+$0xFFFFFC60]  }
0xdd: {  	v11 =	vadd.f32 v16, v11;
	v16 =	vld [tilespmem:s8+$0xFFFFFC70]  }
0xde: {  	[tilespmem:s15+$0xFFFFFC00] =	vst v20;
	v12 =	vadd.f32 v18, v12;
	v18 =	vld [tilespmem:s8+$0x0]  }
0xdf: {  	[tilespmem:s15+$0xFFFFFC10] =	vst v9;
	v20 =	vadd.f32 v23, v10;
	v22 =	vld [tilespmem:s8+$0x10]  }
.Ltmp4:
0xe0: {  	[tilespmem:s15+$0xFFFFFC20] =	vst v11;
	v13 =	vadd.f32 v24, v13;
	v9 =	vld [tilespmem:s8+$0x20];
	(pc) =	sbr.rel @p0 .LBB2_8-.Ltmp4, $4  }
0xe1: {  	[tilespmem:s15+$0xFFFFFC30] =	vst v12;
	v21 =	vadd.f32 v21, v14;
	v10 =	vld [tilespmem:s8+$0x30]  }
0xe2: {  	[tilespmem:s15+$0xFFFFFC40] =	vst v20;
	v14 =	vadd.f32 v16, v15;
	v11 =	vld [tilespmem:s8+$0x40]  }
0xe3: {  	[tilespmem:s15+$0xFFFFFC50] =	vst v13;
	v16 =	vadd.f32 v18, v17;
	v12 =	vld [tilespmem:s8+$0x50]  }
0xe4: {  	s15 =	sadd.s32 $0x800, s15;
	[tilespmem:s9+$0xFFFFFC60] =	vst v21;
	v15 =	vadd.f32 v22, v19;
	v13 =	vld [tilespmem:s8+$0x60]  }
0xe5: {  	[tilespmem:s9+$0xFFFFFC70] =	vst v14  }
0xe6: {  	v3 =	vadd.f32 v9, v8;
	[tilespmem:s9+$0x0] =	vst v16;
	s4 =	sadd.s32 $0x1, s4  }
0xe7: {  	v5 =	vadd.f32 v10, v5;
	[tilespmem:s9+$0x10] =	vst v15;
	p0 =	sne.s32 s4, $0x8  }
.Ltmp5:
0xe8: {  	v6 =	vadd.f32 v11, v6;
	[tilespmem:s9+$0x20] =	vst v3;
	(pc) =	sbr.rel @p0 .LBB2_7-.Ltmp5, $4  }
0xe9: {  	v3 =	vadd.f32 v12, v4;
	[tilespmem:s9+$0x30] =	vst v5  }
0xea: {  	v63 =	vadd.f32 v13, v7;
	[tilespmem:s9+$0x40] =	vst v6  }
0xeb: {  	[tilespmem:s9+$0x50] =	vst v3  }
0xec: {  	s1 =	sadd.s32 $0x80, s1;
	[tilespmem:s9+$0x60] =	vst v63  }
0xed: {  	s1 =	sadd.s32 s7, s19  }
0xee: {  	s1 =	sshll.u32 s1, $0x8  }
0xef: {  	s1 =	sadd.s32 s5, s1  }
0xf0: {  	[hbm4b:s1+s6] =	stream.linear.scatter [tilespmem:s16], [sflag:$0x5], $0x4000, $0x38;
	[tilespmem:$0x1C580] =	vst v63  }
0xf1: {  	p0 =	seq.s32 s0, $0x0;
	s1 =	sshll.u32 s0, $0x2  }
0xf2: {  	s8 =	simm.s32 @!p0 $0x8;
	s4 =	sor.u32 $0x3, s1  }
0xf3: {  	_ =	swait.ge @!p0 [sflag:s8], $0x4000;
	s9 =	sadd.s32 s10, s4  }
0xf4: {  	[sflag:s8] =	ssyncset.done @!p0 $0x0;
	s9 =	sshll.u32 s9, $0xB  }
0xf5: {  	[sflag:s8] =	ssyncadd.s32 @!p0 $0xFFFFC000;
	s31 =	sadd.s32 s2, s9;
	s9 =	simm.s32 $0x0  }
0xf6: {  	[tilespmem:s23], [sflag:$0x4] =	stream.linear.gather [hbm4b:s31+s9], $0x4000, $0x38;
	[tilespmem:$0x1C580] =	vst v63  }
0xf7: {  	_ =	swait.ge [sflag:s24], $0x4000  }
0xf8: {  	[sflag:s24] =	ssyncset.done $0x0  }
0xf9: {  	s11 =	sor.u32 $0x8, s19;
	s15 =	simm.s32 $0xC000;
	[sflag:s24] =	ssyncadd.s32 $0xFFFFC000  }
.LBB2_11:
0xfa: {  	s8 =	sor.u32 s11, s9  }
0xfb: {  	v3 =	vld [tilespmem:s8+$0x1C080];
	_ =	sdelay $0x4  }
0xfc: {  	(v2sf) =	vpush v3, $0x0;
	_ =	sdelay $0x4  }
0xfd: {  	v3 =	vmov s15;
	_ =	sdelay $0x3  }
0xfe: {  	v5 =	vld.msk [tilespmem:s8+$0x1C300 ss:$0x0], $0xffff;
	s8 =	simm.s32 $0x0  }
0xff: {  	v6 =	vld.idx.msk [tilespmem:v3+s8+$0x4470 ss:$0x1], $0xffff  }
0x100: {  	v7 =	vld.idx.msk [tilespmem:v3+s8+$0x4000 ss:$0x1], $0xffff  }
0x101: {  	v9 =	vld.idx.msk [tilespmem:v3+s8+$0x4010 ss:$0x1], $0xffff  }
0x102: {  	v10 =	vld.idx.msk [tilespmem:v3+s8+$0x4020 ss:$0x1], $0xffff  }
0x103: {  	v11 =	vld.idx.msk [tilespmem:v3+s8+$0x4030 ss:$0x1], $0xffff  }
0x104: {  	v12 =	vld.idx.msk [tilespmem:v3+s8+$0x4040 ss:$0x1], $0xffff;
	s20 =	spop (v2sf)  }
0x105: {  	v13 =	vld.idx.msk [tilespmem:v3+s8+$0x4050 ss:$0x1], $0xffff;
	s21 =	sshll.u32 s20, $0xD;
	s20 =	sand.u32 $0x7, s20  }
0x106: {  	v14 =	vld.idx.msk [tilespmem:v3+s8+$0x4060 ss:$0x1], $0xffff;
	s21 =	sand.u32 $0xFFFF0000, s21;
	s20 =	sshll.u32 s20, $0x9  }
0x107: {  	v15 =	vld.idx.msk [tilespmem:v3+s8+$0x4070 ss:$0x1], $0xffff;
	s20 =	sor.u32 s20, s21  }
0x108: {  	v16 =	vld.idx.msk [tilespmem:v3+s8+$0x4400 ss:$0x1], $0xffff;
	s20 =	sshra.s32 s20, $0x2  }
0x109: {  	v17 =	vld.idx.msk [tilespmem:v3+s8+$0x4410 ss:$0x1], $0xffff;
	s20 =	sor.u32 $0x400, s20  }
0x10a: {  	v18 =	vld.idx.msk [tilespmem:v3+s8+$0x4420 ss:$0x1], $0xffff;
	v4 =	vmov s20  }
0x10b: {  	v19 =	vld.idx.msk [tilespmem:v3+s8+$0x4430 ss:$0x1], $0xffff  }
0x10c: {  	v20 =	vld.idx.msk [tilespmem:v3+s8+$0x4440 ss:$0x1], $0xffff  }
0x10d: {  	v21 =	vld.idx.msk [tilespmem:v3+s8+$0x4450 ss:$0x1], $0xffff  }
0x10e: {  	v22 =	vld.idx.msk [tilespmem:v3+s8+$0x4460 ss:$0x1], $0xffff  }
0x10f: {  	v8 =	vld.idx.msk [tilespmem:v4+s8+$0x70 ss:$0x1], $0xffff  }
0x110: {  	v23 =	vld.idx.msk [tilespmem:v4+s8+$0xFFFFFC00 ss:$0x1], $0xffff  }
0x111: {  	v24 =	vld.idx.msk [tilespmem:v4+s8+$0xFFFFFC10 ss:$0x1], $0xffff  }
0x112: {  	v6 =	vmul.f32 v6, v5;
	v25 =	vld.idx.msk [tilespmem:v4+s8+$0xFFFFFC20 ss:$0x1], $0xffff  }
0x113: {  	v7 =	vmul.f32 v7, v5;
	v9 =	vmul.f32 v9, v5;
	v26 =	vld.idx.msk [tilespmem:v4+s8+$0xFFFFFC30 ss:$0x1], $0xffff  }
0x114: {  	v10 =	vmul.f32 v10, v5;
	v11 =	vmul.f32 v11, v5;
	v27 =	vld.idx.msk [tilespmem:v4+s8+$0xFFFFFC40 ss:$0x1], $0xffff  }
0x115: {  	v12 =	vmul.f32 v12, v5;
	v29 =	vmul.f32 v13, v5;
	v28 =	vld.idx.msk [tilespmem:v4+s8+$0xFFFFFC50 ss:$0x1], $0xffff;
	v6 =	vadd.f32 v8, v6  }
0x116: {  	v30 =	vmul.f32 v14, v5;
	v31 =	vmul.f32 v15, v5;
	v63 =	vld.idx.msk [tilespmem:v4+s8+$0xFFFFFC70 ss:$0x1], $0xffff;
	v7 =	vadd.f32 v23, v7  }
0x117: {  	v23 =	vld.idx.msk [tilespmem:v4+s8+$0xFFFFFC60 ss:$0x1], $0xffff;
	v8 =	vmul.f32 v16, v5;
	v9 =	vadd.f32 v24, v9;
	[tilespmem:v3+s8+$0x4470 ss:$0x1] =	vst.idx.msk $0xffff, v6  }
0x118: {  	v14 =	vld.idx.msk [tilespmem:v4+s8+$0x0 ss:$0x1], $0xffff;
	v10 =	vadd.f32 v25, v10;
	v16 =	vadd.f32 v26, v11;
	[tilespmem:v3+s8+$0x4000 ss:$0x1] =	vst.idx.msk $0xffff, v7  }
0x119: {  	v13 =	vld.idx.msk [tilespmem:v4+s8+$0x10 ss:$0x1], $0xffff;
	v11 =	vmul.f32 v20, v5;
	v6 =	vmul.f32 v17, v5;
	[tilespmem:v3+s8+$0x4010 ss:$0x1] =	vst.idx.msk $0xffff, v9  }
0x11a: {  	v15 =	vld.idx.msk [tilespmem:v4+s8+$0x20 ss:$0x1], $0xffff;
	v7 =	vmul.f32 v18, v5;
	[tilespmem:v3+s8+$0x4020 ss:$0x1] =	vst.idx.msk $0xffff, v10;
	v17 =	vadd.f32 v27, v12  }
0x11b: {  	v9 =	vmul.f32 v19, v5;
	[tilespmem:v3+s8+$0x4030 ss:$0x1] =	vst.idx.msk $0xffff, v16;
	v18 =	vadd.f32 v28, v29;
	v16 =	vld.idx.msk [tilespmem:v4+s8+$0x30 ss:$0x1], $0xffff  }
0x11c: {  	v12 =	vmul.f32 v21, v5;
	[tilespmem:v3+s8+$0x4040 ss:$0x1] =	vst.idx.msk $0xffff, v17;
	v17 =	vld.idx.msk [tilespmem:v4+s8+$0x40 ss:$0x1], $0xffff;
	v20 =	vadd.f32 v23, v30  }
0x11d: {  	s21 =	simm.s32 $0x2000;
	s20 =	simm.s32 $0x0;
	v10 =	vmul.f32 v22, v5;
	v19 =	vadd.f32 v63, v31;
	[tilespmem:v3+s8+$0x4050 ss:$0x1] =	vst.idx.msk $0xffff, v18;
	v18 =	vld.idx.msk [tilespmem:v4+s8+$0x50 ss:$0x1], $0xffff  }
.LBB2_12:
0x11e: {  	s31 =	sshra.s32 s21, $0x2;
	s20 =	sadd.s32 $0x10, s20;
	[tilespmem:v3+s8+$0x4060 ss:$0x1] =	vst.idx.msk $0xffff, v20;
	v8 =	vadd.f32 v14, v8;
	v14 =	vld.idx.msk [tilespmem:v4+s8+$0x60 ss:$0x1], $0xffff  }
0x11f: {  	v6 =	vadd.f32 v13, v6;
	v20 =	vld.idx.msk [tilespmem:v3+s31+$0x4470 ss:$0x1], $0xffff;
	p0 =	slt.u32 s20, $0x70;
	[tilespmem:v3+s8+$0x4070 ss:$0x1] =	vst.idx.msk $0xffff, v19  }
0x120: {  	v7 =	vadd.f32 v15, v7;
	v13 =	vld.idx.msk [tilespmem:v3+s31+$0x4000 ss:$0x1], $0xffff;
	[tilespmem:v3+s8+$0x4400 ss:$0x1] =	vst.idx.msk $0xffff, v8  }
0x121: {  	v8 =	vld.idx.msk [tilespmem:v4+s31+$0x70 ss:$0x1], $0xffff;
	[tilespmem:v3+s8+$0x4410 ss:$0x1] =	vst.idx.msk $0xffff, v6;
	v6 =	vadd.f32 v16, v9  }
0x122: {  	v9 =	vld.idx.msk [tilespmem:v3+s31+$0x4010 ss:$0x1], $0xffff;
	[tilespmem:v3+s8+$0x4420 ss:$0x1] =	vst.idx.msk $0xffff, v7;
	v7 =	vadd.f32 v17, v11  }
0x123: {  	v11 =	vld.idx.msk [tilespmem:v3+s31+$0x4020 ss:$0x1], $0xffff;
	[tilespmem:v3+s8+$0x4430 ss:$0x1] =	vst.idx.msk $0xffff, v6;
	v6 =	vadd.f32 v18, v12  }
0x124: {  	v12 =	vld.idx.msk [tilespmem:v3+s31+$0x4030 ss:$0x1], $0xffff;
	[tilespmem:v3+s8+$0x4440 ss:$0x1] =	vst.idx.msk $0xffff, v7;
	v7 =	vadd.f32 v14, v10  }
0x125: {  	v14 =	vmul.f32 v20, v5;
	v10 =	vld.idx.msk [tilespmem:v3+s31+$0x4040 ss:$0x1], $0xffff;
	[tilespmem:v3+s8+$0x4450 ss:$0x1] =	vst.idx.msk $0xffff, v6  }
0x126: {  	v13 =	vmul.f32 v13, v5;
	v6 =	vld.idx.msk [tilespmem:v3+s31+$0x4050 ss:$0x1], $0xffff;
	[tilespmem:v3+s8+$0x4460 ss:$0x1] =	vst.idx.msk $0xffff, v7;
	s8 =	smov.u32 s31  }
0x127: {  	v8 =	vadd.f32 v8, v14;
	v7 =	vld.idx.msk [tilespmem:v3+s8+$0x4060 ss:$0x1], $0xffff  }
0x128: {  	v14 =	vmul.f32 v9, v5;
	v9 =	vld.idx.msk [tilespmem:v3+s8+$0x4070 ss:$0x1], $0xffff  }
0x129: {  	v15 =	vmul.f32 v11, v5;
	v11 =	vld.idx.msk [tilespmem:v3+s8+$0x4400 ss:$0x1], $0xffff;
	[tilespmem:v3+s8+$0x4470 ss:$0x1] =	vst.idx.msk $0xffff, v8  }
0x12a: {  	v16 =	vmul.f32 v12, v5;
	v12 =	vld.idx.msk [tilespmem:v3+s8+$0x4410 ss:$0x1], $0xffff  }
0x12b: {  	v17 =	vmul.f32 v10, v5;
	v10 =	vld.idx.msk [tilespmem:v3+s8+$0x4420 ss:$0x1], $0xffff  }
0x12c: {  	v18 =	vmul.f32 v6, v5;
	v19 =	vld.idx.msk [tilespmem:v3+s8+$0x4430 ss:$0x1], $0xffff  }
0x12d: {  	v20 =	vmul.f32 v7, v5;
	v21 =	vld.idx.msk [tilespmem:v3+s8+$0x4440 ss:$0x1], $0xffff  }
0x12e: {  	v22 =	vmul.f32 v9, v5;
	v23 =	vld.idx.msk [tilespmem:v3+s8+$0x4450 ss:$0x1], $0xffff  }
0x12f: {  	v8 =	vmul.f32 v11, v5;
	v24 =	vld.idx.msk [tilespmem:v3+s8+$0x4460 ss:$0x1], $0xffff  }
0x130: {  	v6 =	vmul.f32 v12, v5;
	v25 =	vld.idx.msk [tilespmem:v4+s8+$0xFFFFFC00 ss:$0x1], $0xffff  }
0x131: {  	v7 =	vmul.f32 v10, v5;
	v26 =	vld.idx.msk [tilespmem:v4+s8+$0xFFFFFC10 ss:$0x1], $0xffff  }
0x132: {  	v9 =	vmul.f32 v19, v5;
	v27 =	vld.idx.msk [tilespmem:v4+s8+$0xFFFFFC20 ss:$0x1], $0xffff  }
0x133: {  	v11 =	vmul.f32 v21, v5;
	v19 =	vld.idx.msk [tilespmem:v4+s8+$0xFFFFFC30 ss:$0x1], $0xffff  }
0x134: {  	v12 =	vmul.f32 v23, v5;
	v21 =	vld.idx.msk [tilespmem:v4+s8+$0xFFFFFC40 ss:$0x1], $0xffff  }
0x135: {  	v10 =	vmul.f32 v24, v5;
	v23 =	vld.idx.msk [tilespmem:v4+s8+$0xFFFFFC50 ss:$0x1], $0xffff  }
0x136: {  	v13 =	vadd.f32 v25, v13;
	v24 =	vld.idx.msk [tilespmem:v4+s8+$0xFFFFFC60 ss:$0x1], $0xffff  }
0x137: {  	v25 =	vadd.f32 v26, v14;
	v26 =	vld.idx.msk [tilespmem:v4+s8+$0xFFFFFC70 ss:$0x1], $0xffff  }
0x138: {  	v15 =	vadd.f32 v27, v15;
	[tilespmem:v3+s8+$0x4000 ss:$0x1] =	vst.idx.msk $0xffff, v13;
	v14 =	vld.idx.msk [tilespmem:v4+s8+$0x0 ss:$0x1], $0xffff  }
.Ltmp6:
0x139: {  	v16 =	vadd.f32 v19, v16;
	[tilespmem:v3+s8+$0x4010 ss:$0x1] =	vst.idx.msk $0xffff, v25;
	v13 =	vld.idx.msk [tilespmem:v4+s8+$0x10 ss:$0x1], $0xffff;
	(pc) =	sbr.rel @p0 .LBB2_12-.Ltmp6, $4  }
0x13a: {  	v17 =	vadd.f32 v21, v17;
	[tilespmem:v3+s8+$0x4020 ss:$0x1] =	vst.idx.msk $0xffff, v15;
	v15 =	vld.idx.msk [tilespmem:v4+s8+$0x20 ss:$0x1], $0xffff  }
0x13b: {  	v18 =	vadd.f32 v23, v18;
	[tilespmem:v3+s8+$0x4030 ss:$0x1] =	vst.idx.msk $0xffff, v16;
	v16 =	vld.idx.msk [tilespmem:v4+s8+$0x30 ss:$0x1], $0xffff  }
0x13c: {  	v20 =	vadd.f32 v24, v20;
	[tilespmem:v3+s8+$0x4040 ss:$0x1] =	vst.idx.msk $0xffff, v17;
	v17 =	vld.idx.msk [tilespmem:v4+s8+$0x40 ss:$0x1], $0xffff  }
0x13d: {  	s21 =	sadd.s32 $0x2000, s21;
	v19 =	vadd.f32 v26, v22;
	[tilespmem:v3+s8+$0x4050 ss:$0x1] =	vst.idx.msk $0xffff, v18;
	v18 =	vld.idx.msk [tilespmem:v4+s8+$0x50 ss:$0x1], $0xffff  }
0x13e: {  	_ =	sdelay $0x3  }
0x13f: {  	[tilespmem:v3+s8+$0x4060 ss:$0x1] =	vst.idx.msk $0xffff, v20;
	v5 =	vadd.f32 v14, v8  }
0x140: {  	v4 =	vld.idx.msk [tilespmem:v4+s8+$0x60 ss:$0x1], $0xffff;
	v6 =	vadd.f32 v13, v6;
	[tilespmem:v3+s8+$0x4070 ss:$0x1] =	vst.idx.msk $0xffff, v19  }
0x141: {  	s9 =	sadd.s32 $0x1, s9;
	v60 =	vadd.f32 v15, v7;
	[tilespmem:v3+s8+$0x4400 ss:$0x1] =	vst.idx.msk $0xffff, v5  }
0x142: {  	p0 =	sne.s32 s9, $0x8;
	[tilespmem:v3+s8+$0x4410 ss:$0x1] =	vst.idx.msk $0xffff, v6;
	v61 =	vadd.f32 v16, v9  }
.Ltmp7:
0x143: {  	[tilespmem:v3+s8+$0x4420 ss:$0x1] =	vst.idx.msk $0xffff, v60;
	v62 =	vadd.f32 v17, v11;
	(pc) =	sbr.rel @p0 .LBB2_11-.Ltmp7, $4  }
0x144: {  	[tilespmem:v3+s8+$0x4430 ss:$0x1] =	vst.idx.msk $0xffff, v61;
	v63 =	vadd.f32 v18, v12  }
0x145: {  	[tilespmem:v3+s8+$0x4440 ss:$0x1] =	vst.idx.msk $0xffff, v62;
	v4 =	vadd.f32 v4, v10  }
0x146: {  	[tilespmem:v3+s8+$0x4450 ss:$0x1] =	vst.idx.msk $0xffff, v63  }
0x147: {  	s15 =	sadd.s32 $0x80, s15;
	[tilespmem:v3+s8+$0x4460 ss:$0x1] =	vst.idx.msk $0xffff, v4  }
0x148: {  	s8 =	sadd.s32 s7, s11  }
0x149: {  	s8 =	sshll.u32 s8, $0x8  }
0x14a: {  	p0 =	seq.s32 s0, $0xF;
	s8 =	sadd.s32 s5, s8  }
0x14b: {  	[hbm4b:s8+s6] =	stream.linear.scatter [tilespmem:s17], [sflag:$0x6], $0x4000, $0x38;
	[tilespmem:$0x1C580] =	vst v63  }
0x14c: {  	s8 =	sadd.s32 @!p0 s1, s12  }
0x14d: {  	_ =	swait.ge [sflag:s25], $0x4000;
	s8 =	sshll.u32 @!p0 s8, $0xB  }
0x14e: {  	s9 =	simm.s32 @!p0 $0x0;
	[sflag:s25] =	ssyncset.done $0x0;
	s8 =	sand.u32 @!p0 $0x1FFFE000, s8  }
0x14f: {  	s11 =	simm.s32 @!p0 $0xC000;
	[sflag:s25] =	ssyncadd.s32 $0xFFFFC000;
	s8 =	sadd.s32 @!p0 s2, s8  }
0x150: {  	[tilespmem:s11], [sflag:$0x1] =	stream.linear.gather @!p0 [hbm4b:s8+s9], $0x4000, $0x38;
	[tilespmem:$0x1C580] =	vst v63  }
0x151: {  	_ =	swait.ge [sflag:s26], $0x4000  }
0x152: {  	s15 =	simm.s32 $0xC000;
	[sflag:s26] =	ssyncset.done $0x0  }
0x153: {  	s9 =	sor.u32 $0x10, s19;
	s11 =	simm.s32 $0x0;
	[sflag:s26] =	ssyncadd.s32 $0xFFFFC000  }
.LBB2_15:
0x154: {  	s8 =	sor.u32 s9, s11  }
0x155: {  	v3 =	vld [tilespmem:s8+$0x1C080];
	_ =	sdelay $0x4  }
0x156: {  	(v2sf) =	vpush v3, $0x0;
	_ =	sdelay $0x4  }
0x157: {  	v3 =	vmov s15;
	_ =	sdelay $0x3  }
0x158: {  	v5 =	vld.msk [tilespmem:s8+$0x1C300 ss:$0x0], $0xffff;
	s8 =	simm.s32 $0x0  }
0x159: {  	v6 =	vld.idx.msk [tilespmem:v3+s8+$0x8470 ss:$0x1], $0xffff  }
0x15a: {  	v7 =	vld.idx.msk [tilespmem:v3+s8+$0x8000 ss:$0x1], $0xffff  }
0x15b: {  	v9 =	vld.idx.msk [tilespmem:v3+s8+$0x8010 ss:$0x1], $0xffff  }
0x15c: {  	v10 =	vld.idx.msk [tilespmem:v3+s8+$0x8020 ss:$0x1], $0xffff  }
0x15d: {  	v11 =	vld.idx.msk [tilespmem:v3+s8+$0x8030 ss:$0x1], $0xffff  }
0x15e: {  	v12 =	vld.idx.msk [tilespmem:v3+s8+$0x8040 ss:$0x1], $0xffff;
	s19 =	spop (v2sf)  }
0x15f: {  	v13 =	vld.idx.msk [tilespmem:v3+s8+$0x8050 ss:$0x1], $0xffff;
	s20 =	sshll.u32 s19, $0xD;
	s19 =	sand.u32 $0x7, s19  }
0x160: {  	v14 =	vld.idx.msk [tilespmem:v3+s8+$0x8060 ss:$0x1], $0xffff;
	s20 =	sand.u32 $0xFFFF0000, s20;
	s19 =	sshll.u32 s19, $0x9  }
0x161: {  	v15 =	vld.idx.msk [tilespmem:v3+s8+$0x8070 ss:$0x1], $0xffff;
	s19 =	sor.u32 s19, s20  }
0x162: {  	v16 =	vld.idx.msk [tilespmem:v3+s8+$0x8400 ss:$0x1], $0xffff;
	s19 =	sshra.s32 s19, $0x2  }
0x163: {  	v17 =	vld.idx.msk [tilespmem:v3+s8+$0x8410 ss:$0x1], $0xffff;
	s19 =	sor.u32 $0x400, s19  }
0x164: {  	v18 =	vld.idx.msk [tilespmem:v3+s8+$0x8420 ss:$0x1], $0xffff;
	v4 =	vmov s19  }
0x165: {  	v19 =	vld.idx.msk [tilespmem:v3+s8+$0x8430 ss:$0x1], $0xffff  }
0x166: {  	v20 =	vld.idx.msk [tilespmem:v3+s8+$0x8440 ss:$0x1], $0xffff  }
0x167: {  	v21 =	vld.idx.msk [tilespmem:v3+s8+$0x8450 ss:$0x1], $0xffff  }
0x168: {  	v22 =	vld.idx.msk [tilespmem:v3+s8+$0x8460 ss:$0x1], $0xffff  }
0x169: {  	v8 =	vld.idx.msk [tilespmem:v4+s8+$0x70 ss:$0x1], $0xffff  }
0x16a: {  	v23 =	vld.idx.msk [tilespmem:v4+s8+$0xFFFFFC00 ss:$0x1], $0xffff  }
0x16b: {  	v24 =	vld.idx.msk [tilespmem:v4+s8+$0xFFFFFC10 ss:$0x1], $0xffff  }
0x16c: {  	v6 =	vmul.f32 v6, v5;
	v25 =	vld.idx.msk [tilespmem:v4+s8+$0xFFFFFC20 ss:$0x1], $0xffff  }
0x16d: {  	v7 =	vmul.f32 v7, v5;
	v9 =	vmul.f32 v9, v5;
	v26 =	vld.idx.msk [tilespmem:v4+s8+$0xFFFFFC30 ss:$0x1], $0xffff  }
0x16e: {  	v10 =	vmul.f32 v10, v5;
	v11 =	vmul.f32 v11, v5;
	v27 =	vld.idx.msk [tilespmem:v4+s8+$0xFFFFFC40 ss:$0x1], $0xffff  }
0x16f: {  	v12 =	vmul.f32 v12, v5;
	v29 =	vmul.f32 v13, v5;
	v28 =	vld.idx.msk [tilespmem:v4+s8+$0xFFFFFC50 ss:$0x1], $0xffff;
	v6 =	vadd.f32 v8, v6  }
0x170: {  	v30 =	vmul.f32 v14, v5;
	v31 =	vmul.f32 v15, v5;
	v63 =	vld.idx.msk [tilespmem:v4+s8+$0xFFFFFC70 ss:$0x1], $0xffff;
	v7 =	vadd.f32 v23, v7  }
0x171: {  	v23 =	vld.idx.msk [tilespmem:v4+s8+$0xFFFFFC60 ss:$0x1], $0xffff;
	v8 =	vmul.f32 v16, v5;
	v9 =	vadd.f32 v24, v9;
	[tilespmem:v3+s8+$0x8470 ss:$0x1] =	vst.idx.msk $0xffff, v6  }
0x172: {  	v14 =	vld.idx.msk [tilespmem:v4+s8+$0x0 ss:$0x1], $0xffff;
	v10 =	vadd.f32 v25, v10;
	v16 =	vadd.f32 v26, v11;
	[tilespmem:v3+s8+$0x8000 ss:$0x1] =	vst.idx.msk $0xffff, v7  }
0x173: {  	v13 =	vld.idx.msk [tilespmem:v4+s8+$0x10 ss:$0x1], $0xffff;
	v11 =	vmul.f32 v20, v5;
	v6 =	vmul.f32 v17, v5;
	[tilespmem:v3+s8+$0x8010 ss:$0x1] =	vst.idx.msk $0xffff, v9  }
0x174: {  	v15 =	vld.idx.msk [tilespmem:v4+s8+$0x20 ss:$0x1], $0xffff;
	v7 =	vmul.f32 v18, v5;
	[tilespmem:v3+s8+$0x8020 ss:$0x1] =	vst.idx.msk $0xffff, v10;
	v17 =	vadd.f32 v27, v12  }
0x175: {  	v9 =	vmul.f32 v19, v5;
	[tilespmem:v3+s8+$0x8030 ss:$0x1] =	vst.idx.msk $0xffff, v16;
	v18 =	vadd.f32 v28, v29;
	v16 =	vld.idx.msk [tilespmem:v4+s8+$0x30 ss:$0x1], $0xffff  }
0x176: {  	v12 =	vmul.f32 v21, v5;
	[tilespmem:v3+s8+$0x8040 ss:$0x1] =	vst.idx.msk $0xffff, v17;
	v17 =	vld.idx.msk [tilespmem:v4+s8+$0x40 ss:$0x1], $0xffff;
	v20 =	vadd.f32 v23, v30  }
0x177: {  	s20 =	simm.s32 $0x2000;
	s19 =	simm.s32 $0x0;
	v10 =	vmul.f32 v22, v5;
	v19 =	vadd.f32 v63, v31;
	[tilespmem:v3+s8+$0x8050 ss:$0x1] =	vst.idx.msk $0xffff, v18;
	v18 =	vld.idx.msk [tilespmem:v4+s8+$0x50 ss:$0x1], $0xffff  }
.LBB2_16:
0x178: {  	s21 =	sshra.s32 s20, $0x2;
	s19 =	sadd.s32 $0x10, s19;
	[tilespmem:v3+s8+$0x8060 ss:$0x1] =	vst.idx.msk $0xffff, v20;
	v8 =	vadd.f32 v14, v8;
	v14 =	vld.idx.msk [tilespmem:v4+s8+$0x60 ss:$0x1], $0xffff  }
0x179: {  	v6 =	vadd.f32 v13, v6;
	v20 =	vld.idx.msk [tilespmem:v3+s21+$0x8470 ss:$0x1], $0xffff;
	p1 =	slt.u32 s19, $0x70;
	[tilespmem:v3+s8+$0x8070 ss:$0x1] =	vst.idx.msk $0xffff, v19  }
0x17a: {  	v7 =	vadd.f32 v15, v7;
	v13 =	vld.idx.msk [tilespmem:v3+s21+$0x8000 ss:$0x1], $0xffff;
	[tilespmem:v3+s8+$0x8400 ss:$0x1] =	vst.idx.msk $0xffff, v8  }
0x17b: {  	v8 =	vld.idx.msk [tilespmem:v4+s21+$0x70 ss:$0x1], $0xffff;
	[tilespmem:v3+s8+$0x8410 ss:$0x1] =	vst.idx.msk $0xffff, v6;
	v6 =	vadd.f32 v16, v9  }
0x17c: {  	v9 =	vld.idx.msk [tilespmem:v3+s21+$0x8010 ss:$0x1], $0xffff;
	[tilespmem:v3+s8+$0x8420 ss:$0x1] =	vst.idx.msk $0xffff, v7;
	v7 =	vadd.f32 v17, v11  }
0x17d: {  	v11 =	vld.idx.msk [tilespmem:v3+s21+$0x8020 ss:$0x1], $0xffff;
	[tilespmem:v3+s8+$0x8430 ss:$0x1] =	vst.idx.msk $0xffff, v6;
	v6 =	vadd.f32 v18, v12  }
0x17e: {  	v12 =	vld.idx.msk [tilespmem:v3+s21+$0x8030 ss:$0x1], $0xffff;
	[tilespmem:v3+s8+$0x8440 ss:$0x1] =	vst.idx.msk $0xffff, v7;
	v7 =	vadd.f32 v14, v10  }
0x17f: {  	v14 =	vmul.f32 v20, v5;
	v10 =	vld.idx.msk [tilespmem:v3+s21+$0x8040 ss:$0x1], $0xffff;
	[tilespmem:v3+s8+$0x8450 ss:$0x1] =	vst.idx.msk $0xffff, v6  }
0x180: {  	v13 =	vmul.f32 v13, v5;
	v6 =	vld.idx.msk [tilespmem:v3+s21+$0x8050 ss:$0x1], $0xffff;
	[tilespmem:v3+s8+$0x8460 ss:$0x1] =	vst.idx.msk $0xffff, v7;
	s8 =	smov.u32 s21  }
0x181: {  	v8 =	vadd.f32 v8, v14;
	v7 =	vld.idx.msk [tilespmem:v3+s8+$0x8060 ss:$0x1], $0xffff  }
0x182: {  	v14 =	vmul.f32 v9, v5;
	v9 =	vld.idx.msk [tilespmem:v3+s8+$0x8070 ss:$0x1], $0xffff  }
0x183: {  	v15 =	vmul.f32 v11, v5;
	v11 =	vld.idx.msk [tilespmem:v3+s8+$0x8400 ss:$0x1], $0xffff;
	[tilespmem:v3+s8+$0x8470 ss:$0x1] =	vst.idx.msk $0xffff, v8  }
0x184: {  	v16 =	vmul.f32 v12, v5;
	v12 =	vld.idx.msk [tilespmem:v3+s8+$0x8410 ss:$0x1], $0xffff  }
0x185: {  	v17 =	vmul.f32 v10, v5;
	v10 =	vld.idx.msk [tilespmem:v3+s8+$0x8420 ss:$0x1], $0xffff  }
0x186: {  	v18 =	vmul.f32 v6, v5;
	v19 =	vld.idx.msk [tilespmem:v3+s8+$0x8430 ss:$0x1], $0xffff  }
0x187: {  	v20 =	vmul.f32 v7, v5;
	v21 =	vld.idx.msk [tilespmem:v3+s8+$0x8440 ss:$0x1], $0xffff  }
0x188: {  	v22 =	vmul.f32 v9, v5;
	v23 =	vld.idx.msk [tilespmem:v3+s8+$0x8450 ss:$0x1], $0xffff  }
0x189: {  	v8 =	vmul.f32 v11, v5;
	v24 =	vld.idx.msk [tilespmem:v3+s8+$0x8460 ss:$0x1], $0xffff  }
0x18a: {  	v6 =	vmul.f32 v12, v5;
	v25 =	vld.idx.msk [tilespmem:v4+s8+$0xFFFFFC00 ss:$0x1], $0xffff  }
0x18b: {  	v7 =	vmul.f32 v10, v5;
	v26 =	vld.idx.msk [tilespmem:v4+s8+$0xFFFFFC10 ss:$0x1], $0xffff  }
0x18c: {  	v9 =	vmul.f32 v19, v5;
	v27 =	vld.idx.msk [tilespmem:v4+s8+$0xFFFFFC20 ss:$0x1], $0xffff  }
0x18d: {  	v11 =	vmul.f32 v21, v5;
	v19 =	vld.idx.msk [tilespmem:v4+s8+$0xFFFFFC30 ss:$0x1], $0xffff  }
0x18e: {  	v12 =	vmul.f32 v23, v5;
	v21 =	vld.idx.msk [tilespmem:v4+s8+$0xFFFFFC40 ss:$0x1], $0xffff  }
0x18f: {  	v10 =	vmul.f32 v24, v5;
	v23 =	vld.idx.msk [tilespmem:v4+s8+$0xFFFFFC50 ss:$0x1], $0xffff  }
0x190: {  	v13 =	vadd.f32 v25, v13;
	v24 =	vld.idx.msk [tilespmem:v4+s8+$0xFFFFFC60 ss:$0x1], $0xffff  }
0x191: {  	v25 =	vadd.f32 v26, v14;
	v26 =	vld.idx.msk [tilespmem:v4+s8+$0xFFFFFC70 ss:$0x1], $0xffff  }
0x192: {  	v15 =	vadd.f32 v27, v15;
	[tilespmem:v3+s8+$0x8000 ss:$0x1] =	vst.idx.msk $0xffff, v13;
	v14 =	vld.idx.msk [tilespmem:v4+s8+$0x0 ss:$0x1], $0xffff  }
.Ltmp8:
0x193: {  	v16 =	vadd.f32 v19, v16;
	[tilespmem:v3+s8+$0x8010 ss:$0x1] =	vst.idx.msk $0xffff, v25;
	v13 =	vld.idx.msk [tilespmem:v4+s8+$0x10 ss:$0x1], $0xffff;
	(pc) =	sbr.rel @p1 .LBB2_16-.Ltmp8, $4  }
0x194: {  	v17 =	vadd.f32 v21, v17;
	[tilespmem:v3+s8+$0x8020 ss:$0x1] =	vst.idx.msk $0xffff, v15;
	v15 =	vld.idx.msk [tilespmem:v4+s8+$0x20 ss:$0x1], $0xffff  }
0x195: {  	v18 =	vadd.f32 v23, v18;
	[tilespmem:v3+s8+$0x8030 ss:$0x1] =	vst.idx.msk $0xffff, v16;
	v16 =	vld.idx.msk [tilespmem:v4+s8+$0x30 ss:$0x1], $0xffff  }
0x196: {  	v20 =	vadd.f32 v24, v20;
	[tilespmem:v3+s8+$0x8040 ss:$0x1] =	vst.idx.msk $0xffff, v17;
	v17 =	vld.idx.msk [tilespmem:v4+s8+$0x40 ss:$0x1], $0xffff  }
0x197: {  	s20 =	sadd.s32 $0x2000, s20;
	v19 =	vadd.f32 v26, v22;
	[tilespmem:v3+s8+$0x8050 ss:$0x1] =	vst.idx.msk $0xffff, v18;
	v18 =	vld.idx.msk [tilespmem:v4+s8+$0x50 ss:$0x1], $0xffff  }
0x198: {  	_ =	sdelay $0x3  }
0x199: {  	[tilespmem:v3+s8+$0x8060 ss:$0x1] =	vst.idx.msk $0xffff, v20;
	v5 =	vadd.f32 v14, v8  }
0x19a: {  	v4 =	vld.idx.msk [tilespmem:v4+s8+$0x60 ss:$0x1], $0xffff;
	v6 =	vadd.f32 v13, v6;
	[tilespmem:v3+s8+$0x8070 ss:$0x1] =	vst.idx.msk $0xffff, v19  }
0x19b: {  	s11 =	sadd.s32 $0x1, s11;
	v60 =	vadd.f32 v15, v7;
	[tilespmem:v3+s8+$0x8400 ss:$0x1] =	vst.idx.msk $0xffff, v5  }
0x19c: {  	p1 =	sne.s32 s11, $0x8;
	[tilespmem:v3+s8+$0x8410 ss:$0x1] =	vst.idx.msk $0xffff, v6;
	v61 =	vadd.f32 v16, v9  }
.Ltmp9:
0x19d: {  	[tilespmem:v3+s8+$0x8420 ss:$0x1] =	vst.idx.msk $0xffff, v60;
	v62 =	vadd.f32 v17, v11;
	(pc) =	sbr.rel @p1 .LBB2_15-.Ltmp9, $4  }
0x19e: {  	[tilespmem:v3+s8+$0x8430 ss:$0x1] =	vst.idx.msk $0xffff, v61;
	v63 =	vadd.f32 v18, v12  }
0x19f: {  	[tilespmem:v3+s8+$0x8440 ss:$0x1] =	vst.idx.msk $0xffff, v62;
	v4 =	vadd.f32 v4, v10  }
0x1a0: {  	[tilespmem:v3+s8+$0x8450 ss:$0x1] =	vst.idx.msk $0xffff, v63  }
0x1a1: {  	s15 =	sadd.s32 $0x80, s15;
	[tilespmem:v3+s8+$0x8460 ss:$0x1] =	vst.idx.msk $0xffff, v4  }
0x1a2: {  	s8 =	sadd.s32 s7, s9  }
0x1a3: {  	s8 =	sshll.u32 s8, $0x8  }
0x1a4: {  	s8 =	sadd.s32 s5, s8  }
0x1a5: {  	[hbm4b:s8+s6] =	stream.linear.scatter [tilespmem:s18], [sflag:$0x7], $0x4000, $0x38;
	[tilespmem:$0x1C580] =	vst v63  }
0x1a6: {  	s8 =	sadd.s32 @!p0 s1, s13;
	_ =	swait.ge [sflag:s28], $0x4000  }
0x1a7: {  	s9 =	simm.s32 @!p0 $0x0;
	s8 =	sshll.u32 @!p0 s8, $0xB;
	[sflag:s28] =	ssyncset.done $0x0  }
0x1a8: {  	s11 =	simm.s32 @!p0 $0x10000;
	s8 =	sadd.s32 @!p0 s2, s8;
	[sflag:s28] =	ssyncadd.s32 $0xFFFFC000  }
0x1a9: {  	[tilespmem:s11], [sflag:$0x2] =	stream.linear.gather @!p0 [hbm4b:s8+s9], $0x4000, $0x38;
	[tilespmem:$0x1C580] =	vst v63  }
0x1aa: {  	_ =	swait.ge [sflag:s29], $0x4000  }
0x1ab: {  	s4 =	sshll.u32 s4, $0x3;
	[sflag:s29] =	ssyncset.done $0x0  }
0x1ac: {  	s9 =	simm.s32 $0x0;
	s11 =	simm.s32 $0xC000;
	[sflag:s29] =	ssyncadd.s32 $0xFFFFC000  }
.LBB2_19:
0x1ad: {  	s8 =	sor.u32 s4, s9  }
0x1ae: {  	v3 =	vld [tilespmem:s8+$0x1C080];
	_ =	sdelay $0x4  }
0x1af: {  	(v2sf) =	vpush v3, $0x0;
	_ =	sdelay $0x4  }
0x1b0: {  	v3 =	vmov s11;
	_ =	sdelay $0x3  }
0x1b1: {  	v5 =	vld.msk [tilespmem:s8+$0x1C300 ss:$0x0], $0xffff;
	s8 =	simm.s32 $0x0  }
0x1b2: {  	v6 =	vld.idx.msk [tilespmem:v3+s8+$0xC470 ss:$0x1], $0xffff  }
0x1b3: {  	v7 =	vld.idx.msk [tilespmem:v3+s8+$0xC000 ss:$0x1], $0xffff  }
0x1b4: {  	v9 =	vld.idx.msk [tilespmem:v3+s8+$0xC010 ss:$0x1], $0xffff  }
0x1b5: {  	v10 =	vld.idx.msk [tilespmem:v3+s8+$0xC020 ss:$0x1], $0xffff  }
0x1b6: {  	v11 =	vld.idx.msk [tilespmem:v3+s8+$0xC030 ss:$0x1], $0xffff  }
0x1b7: {  	v12 =	vld.idx.msk [tilespmem:v3+s8+$0xC040 ss:$0x1], $0xffff;
	s15 =	spop (v2sf)  }
0x1b8: {  	v13 =	vld.idx.msk [tilespmem:v3+s8+$0xC050 ss:$0x1], $0xffff;
	s19 =	sshll.u32 s15, $0xD;
	s15 =	sand.u32 $0x7, s15  }
0x1b9: {  	v14 =	vld.idx.msk [tilespmem:v3+s8+$0xC060 ss:$0x1], $0xffff;
	s19 =	sand.u32 $0xFFFF0000, s19;
	s15 =	sshll.u32 s15, $0x9  }
0x1ba: {  	v15 =	vld.idx.msk [tilespmem:v3+s8+$0xC070 ss:$0x1], $0xffff;
	s15 =	sor.u32 s15, s19  }
0x1bb: {  	v16 =	vld.idx.msk [tilespmem:v3+s8+$0xC400 ss:$0x1], $0xffff;
	s15 =	sshra.s32 s15, $0x2  }
0x1bc: {  	v17 =	vld.idx.msk [tilespmem:v3+s8+$0xC410 ss:$0x1], $0xffff;
	s15 =	sor.u32 $0x400, s15  }
0x1bd: {  	v18 =	vld.idx.msk [tilespmem:v3+s8+$0xC420 ss:$0x1], $0xffff;
	v4 =	vmov s15  }
0x1be: {  	v19 =	vld.idx.msk [tilespmem:v3+s8+$0xC430 ss:$0x1], $0xffff  }
0x1bf: {  	v20 =	vld.idx.msk [tilespmem:v3+s8+$0xC440 ss:$0x1], $0xffff  }
0x1c0: {  	v21 =	vld.idx.msk [tilespmem:v3+s8+$0xC450 ss:$0x1], $0xffff  }
0x1c1: {  	v22 =	vld.idx.msk [tilespmem:v3+s8+$0xC460 ss:$0x1], $0xffff  }
0x1c2: {  	v8 =	vld.idx.msk [tilespmem:v4+s8+$0x70 ss:$0x1], $0xffff  }
0x1c3: {  	v23 =	vld.idx.msk [tilespmem:v4+s8+$0xFFFFFC00 ss:$0x1], $0xffff  }
0x1c4: {  	v24 =	vld.idx.msk [tilespmem:v4+s8+$0xFFFFFC10 ss:$0x1], $0xffff  }
0x1c5: {  	v6 =	vmul.f32 v6, v5;
	v25 =	vld.idx.msk [tilespmem:v4+s8+$0xFFFFFC20 ss:$0x1], $0xffff  }
0x1c6: {  	v7 =	vmul.f32 v7, v5;
	v9 =	vmul.f32 v9, v5;
	v26 =	vld.idx.msk [tilespmem:v4+s8+$0xFFFFFC30 ss:$0x1], $0xffff  }
0x1c7: {  	v10 =	vmul.f32 v10, v5;
	v11 =	vmul.f32 v11, v5;
	v27 =	vld.idx.msk [tilespmem:v4+s8+$0xFFFFFC40 ss:$0x1], $0xffff  }
0x1c8: {  	v12 =	vmul.f32 v12, v5;
	v29 =	vmul.f32 v13, v5;
	v28 =	vld.idx.msk [tilespmem:v4+s8+$0xFFFFFC50 ss:$0x1], $0xffff;
	v6 =	vadd.f32 v8, v6  }
0x1c9: {  	v30 =	vmul.f32 v14, v5;
	v31 =	vmul.f32 v15, v5;
	v63 =	vld.idx.msk [tilespmem:v4+s8+$0xFFFFFC70 ss:$0x1], $0xffff;
	v7 =	vadd.f32 v23, v7  }
0x1ca: {  	v23 =	vld.idx.msk [tilespmem:v4+s8+$0xFFFFFC60 ss:$0x1], $0xffff;
	v8 =	vmul.f32 v16, v5;
	v9 =	vadd.f32 v24, v9;
	[tilespmem:v3+s8+$0xC470 ss:$0x1] =	vst.idx.msk $0xffff, v6  }
0x1cb: {  	v14 =	vld.idx.msk [tilespmem:v4+s8+$0x0 ss:$0x1], $0xffff;
	v10 =	vadd.f32 v25, v10;
	v16 =	vadd.f32 v26, v11;
	[tilespmem:v3+s8+$0xC000 ss:$0x1] =	vst.idx.msk $0xffff, v7  }
0x1cc: {  	v13 =	vld.idx.msk [tilespmem:v4+s8+$0x10 ss:$0x1], $0xffff;
	v11 =	vmul.f32 v20, v5;
	v6 =	vmul.f32 v17, v5;
	[tilespmem:v3+s8+$0xC010 ss:$0x1] =	vst.idx.msk $0xffff, v9  }
0x1cd: {  	v15 =	vld.idx.msk [tilespmem:v4+s8+$0x20 ss:$0x1], $0xffff;
	v7 =	vmul.f32 v18, v5;
	[tilespmem:v3+s8+$0xC020 ss:$0x1] =	vst.idx.msk $0xffff, v10;
	v17 =	vadd.f32 v27, v12  }
0x1ce: {  	v9 =	vmul.f32 v19, v5;
	[tilespmem:v3+s8+$0xC030 ss:$0x1] =	vst.idx.msk $0xffff, v16;
	v18 =	vadd.f32 v28, v29;
	v16 =	vld.idx.msk [tilespmem:v4+s8+$0x30 ss:$0x1], $0xffff  }
0x1cf: {  	v12 =	vmul.f32 v21, v5;
	[tilespmem:v3+s8+$0xC040 ss:$0x1] =	vst.idx.msk $0xffff, v17;
	v17 =	vld.idx.msk [tilespmem:v4+s8+$0x40 ss:$0x1], $0xffff;
	v20 =	vadd.f32 v23, v30  }
0x1d0: {  	s19 =	simm.s32 $0x2000;
	s15 =	simm.s32 $0x0;
	v10 =	vmul.f32 v22, v5;
	v19 =	vadd.f32 v63, v31;
	[tilespmem:v3+s8+$0xC050 ss:$0x1] =	vst.idx.msk $0xffff, v18;
	v18 =	vld.idx.msk [tilespmem:v4+s8+$0x50 ss:$0x1], $0xffff  }
.LBB2_20:
0x1d1: {  	s20 =	sshra.s32 s19, $0x2;
	s15 =	sadd.s32 $0x10, s15;
	[tilespmem:v3+s8+$0xC060 ss:$0x1] =	vst.idx.msk $0xffff, v20;
	v8 =	vadd.f32 v14, v8;
	v14 =	vld.idx.msk [tilespmem:v4+s8+$0x60 ss:$0x1], $0xffff  }
0x1d2: {  	v6 =	vadd.f32 v13, v6;
	v20 =	vld.idx.msk [tilespmem:v3+s20+$0xC470 ss:$0x1], $0xffff;
	p1 =	slt.u32 s15, $0x70;
	[tilespmem:v3+s8+$0xC070 ss:$0x1] =	vst.idx.msk $0xffff, v19  }
0x1d3: {  	v7 =	vadd.f32 v15, v7;
	v13 =	vld.idx.msk [tilespmem:v3+s20+$0xC000 ss:$0x1], $0xffff;
	[tilespmem:v3+s8+$0xC400 ss:$0x1] =	vst.idx.msk $0xffff, v8  }
0x1d4: {  	v8 =	vld.idx.msk [tilespmem:v4+s20+$0x70 ss:$0x1], $0xffff;
	[tilespmem:v3+s8+$0xC410 ss:$0x1] =	vst.idx.msk $0xffff, v6;
	v6 =	vadd.f32 v16, v9  }
0x1d5: {  	v9 =	vld.idx.msk [tilespmem:v3+s20+$0xC010 ss:$0x1], $0xffff;
	[tilespmem:v3+s8+$0xC420 ss:$0x1] =	vst.idx.msk $0xffff, v7;
	v7 =	vadd.f32 v17, v11  }
0x1d6: {  	v11 =	vld.idx.msk [tilespmem:v3+s20+$0xC020 ss:$0x1], $0xffff;
	[tilespmem:v3+s8+$0xC430 ss:$0x1] =	vst.idx.msk $0xffff, v6;
	v6 =	vadd.f32 v18, v12  }
0x1d7: {  	v12 =	vld.idx.msk [tilespmem:v3+s20+$0xC030 ss:$0x1], $0xffff;
	[tilespmem:v3+s8+$0xC440 ss:$0x1] =	vst.idx.msk $0xffff, v7;
	v7 =	vadd.f32 v14, v10  }
0x1d8: {  	v14 =	vmul.f32 v20, v5;
	v10 =	vld.idx.msk [tilespmem:v3+s20+$0xC040 ss:$0x1], $0xffff;
	[tilespmem:v3+s8+$0xC450 ss:$0x1] =	vst.idx.msk $0xffff, v6  }
0x1d9: {  	v13 =	vmul.f32 v13, v5;
	v6 =	vld.idx.msk [tilespmem:v3+s20+$0xC050 ss:$0x1], $0xffff;
	[tilespmem:v3+s8+$0xC460 ss:$0x1] =	vst.idx.msk $0xffff, v7;
	s8 =	smov.u32 s20  }
0x1da: {  	v8 =	vadd.f32 v8, v14;
	v7 =	vld.idx.msk [tilespmem:v3+s8+$0xC060 ss:$0x1], $0xffff  }
0x1db: {  	v14 =	vmul.f32 v9, v5;
	v9 =	vld.idx.msk [tilespmem:v3+s8+$0xC070 ss:$0x1], $0xffff  }
0x1dc: {  	v15 =	vmul.f32 v11, v5;
	v11 =	vld.idx.msk [tilespmem:v3+s8+$0xC400 ss:$0x1], $0xffff;
	[tilespmem:v3+s8+$0xC470 ss:$0x1] =	vst.idx.msk $0xffff, v8  }
0x1dd: {  	v16 =	vmul.f32 v12, v5;
	v12 =	vld.idx.msk [tilespmem:v3+s8+$0xC410 ss:$0x1], $0xffff  }
0x1de: {  	v17 =	vmul.f32 v10, v5;
	v10 =	vld.idx.msk [tilespmem:v3+s8+$0xC420 ss:$0x1], $0xffff  }
0x1df: {  	v18 =	vmul.f32 v6, v5;
	v19 =	vld.idx.msk [tilespmem:v3+s8+$0xC430 ss:$0x1], $0xffff  }
0x1e0: {  	v20 =	vmul.f32 v7, v5;
	v21 =	vld.idx.msk [tilespmem:v3+s8+$0xC440 ss:$0x1], $0xffff  }
0x1e1: {  	v22 =	vmul.f32 v9, v5;
	v23 =	vld.idx.msk [tilespmem:v3+s8+$0xC450 ss:$0x1], $0xffff  }
0x1e2: {  	v8 =	vmul.f32 v11, v5;
	v24 =	vld.idx.msk [tilespmem:v3+s8+$0xC460 ss:$0x1], $0xffff  }
0x1e3: {  	v6 =	vmul.f32 v12, v5;
	v25 =	vld.idx.msk [tilespmem:v4+s8+$0xFFFFFC00 ss:$0x1], $0xffff  }
0x1e4: {  	v7 =	vmul.f32 v10, v5;
	v26 =	vld.idx.msk [tilespmem:v4+s8+$0xFFFFFC10 ss:$0x1], $0xffff  }
0x1e5: {  	v9 =	vmul.f32 v19, v5;
	v27 =	vld.idx.msk [tilespmem:v4+s8+$0xFFFFFC20 ss:$0x1], $0xffff  }
0x1e6: {  	v11 =	vmul.f32 v21, v5;
	v19 =	vld.idx.msk [tilespmem:v4+s8+$0xFFFFFC30 ss:$0x1], $0xffff  }
0x1e7: {  	v12 =	vmul.f32 v23, v5;
	v21 =	vld.idx.msk [tilespmem:v4+s8+$0xFFFFFC40 ss:$0x1], $0xffff  }
0x1e8: {  	v10 =	vmul.f32 v24, v5;
	v23 =	vld.idx.msk [tilespmem:v4+s8+$0xFFFFFC50 ss:$0x1], $0xffff  }
0x1e9: {  	v13 =	vadd.f32 v25, v13;
	v24 =	vld.idx.msk [tilespmem:v4+s8+$0xFFFFFC60 ss:$0x1], $0xffff  }
0x1ea: {  	v25 =	vadd.f32 v26, v14;
	v26 =	vld.idx.msk [tilespmem:v4+s8+$0xFFFFFC70 ss:$0x1], $0xffff  }
0x1eb: {  	v15 =	vadd.f32 v27, v15;
	[tilespmem:v3+s8+$0xC000 ss:$0x1] =	vst.idx.msk $0xffff, v13;
	v14 =	vld.idx.msk [tilespmem:v4+s8+$0x0 ss:$0x1], $0xffff  }
.Ltmp10:
0x1ec: {  	v16 =	vadd.f32 v19, v16;
	[tilespmem:v3+s8+$0xC010 ss:$0x1] =	vst.idx.msk $0xffff, v25;
	v13 =	vld.idx.msk [tilespmem:v4+s8+$0x10 ss:$0x1], $0xffff;
	(pc) =	sbr.rel @p1 .LBB2_20-.Ltmp10, $4  }
0x1ed: {  	v17 =	vadd.f32 v21, v17;
	[tilespmem:v3+s8+$0xC020 ss:$0x1] =	vst.idx.msk $0xffff, v15;
	v15 =	vld.idx.msk [tilespmem:v4+s8+$0x20 ss:$0x1], $0xffff  }
0x1ee: {  	v18 =	vadd.f32 v23, v18;
	[tilespmem:v3+s8+$0xC030 ss:$0x1] =	vst.idx.msk $0xffff, v16;
	v16 =	vld.idx.msk [tilespmem:v4+s8+$0x30 ss:$0x1], $0xffff  }
0x1ef: {  	v20 =	vadd.f32 v24, v20;
	[tilespmem:v3+s8+$0xC040 ss:$0x1] =	vst.idx.msk $0xffff, v17;
	v17 =	vld.idx.msk [tilespmem:v4+s8+$0x40 ss:$0x1], $0xffff  }
0x1f0: {  	s19 =	sadd.s32 $0x2000, s19;
	v19 =	vadd.f32 v26, v22;
	[tilespmem:v3+s8+$0xC050 ss:$0x1] =	vst.idx.msk $0xffff, v18;
	v18 =	vld.idx.msk [tilespmem:v4+s8+$0x50 ss:$0x1], $0xffff  }
0x1f1: {  	_ =	sdelay $0x3  }
0x1f2: {  	[tilespmem:v3+s8+$0xC060 ss:$0x1] =	vst.idx.msk $0xffff, v20;
	v5 =	vadd.f32 v14, v8  }
0x1f3: {  	v4 =	vld.idx.msk [tilespmem:v4+s8+$0x60 ss:$0x1], $0xffff;
	v6 =	vadd.f32 v13, v6;
	[tilespmem:v3+s8+$0xC070 ss:$0x1] =	vst.idx.msk $0xffff, v19  }
0x1f4: {  	s9 =	sadd.s32 $0x1, s9;
	v60 =	vadd.f32 v15, v7;
	[tilespmem:v3+s8+$0xC400 ss:$0x1] =	vst.idx.msk $0xffff, v5  }
0x1f5: {  	p1 =	sne.s32 s9, $0x8;
	[tilespmem:v3+s8+$0xC410 ss:$0x1] =	vst.idx.msk $0xffff, v6;
	v61 =	vadd.f32 v16, v9  }
.Ltmp11:
0x1f6: {  	[tilespmem:v3+s8+$0xC420 ss:$0x1] =	vst.idx.msk $0xffff, v60;
	v62 =	vadd.f32 v17, v11;
	(pc) =	sbr.rel @p1 .LBB2_19-.Ltmp11, $4  }
0x1f7: {  	[tilespmem:v3+s8+$0xC430 ss:$0x1] =	vst.idx.msk $0xffff, v61;
	v63 =	vadd.f32 v18, v12  }
0x1f8: {  	[tilespmem:v3+s8+$0xC440 ss:$0x1] =	vst.idx.msk $0xffff, v62;
	v4 =	vadd.f32 v4, v10  }
0x1f9: {  	[tilespmem:v3+s8+$0xC450 ss:$0x1] =	vst.idx.msk $0xffff, v63  }
0x1fa: {  	s11 =	sadd.s32 $0x80, s11;
	[tilespmem:v3+s8+$0xC460 ss:$0x1] =	vst.idx.msk $0xffff, v4  }
0x1fb: {  	s4 =	sadd.s32 s7, s4  }
0x1fc: {  	s4 =	sshll.u32 s4, $0x8  }
.Ltmp12:
0x1fd: {  	s4 =	sadd.s32 s5, s4;
	(pc) =	sbr.rel @p0 .LBB2_24-.Ltmp12, $4  }
0x1fe: {  	[hbm4b:s4+s6] =	stream.linear.scatter [tilespmem:s23], [sflag:$0x8], $0x4000, $0x38;
	[tilespmem:$0x1C580] =	vst v63  }
0x1ff: {  	_ =	swait.ge [sflag:s30], $0x4000  }
0x200: {  	[sflag:s30] =	ssyncset.done $0x0  }
0x201: {  	[sflag:s30] =	ssyncadd.s32 $0xFFFFC000  }
.Ltmp13:
0x202: {  	s1 =	sadd.s32 s1, s14;
	(pc) =	sbr.rel .LBB2_6-.Ltmp13, $4  }
0x203: {  	s1 =	sshll.u32 s1, $0xB  }
0x204: {  	s1 =	sand.u32 $0x1FFFF000, s1  }
0x205: {  	s0 =	sadd.s32 $0x1, s0;
	s1 =	sadd.s32 s2, s1  }
0x206: {  	[tilespmem:s18], [sflag:$0x3] =	stream.linear.gather [hbm4b:s1+s6], $0x4000, $0x38;
	[tilespmem:$0x1C580] =	vst v63  }
.LBB2_25:
0x207: {  	_ =	sfence.sel $0x180000  }
0x208: {  	[bflag:$0x0] =	sbarrier.arrive $0xFFFF  }
0x209: {  	_ =	strace $0x90000047  }
0x20a: {  	s0 =	stileid.u32;
	[bflag:$0x2] =	sbarrier.arrive $0xFFFF  }
0x20b: {  	p0 =	sne.s32 s0, $0x0;
	s0 =	rddreg [dreg:$0x4]  }
0x20c: {  	s0 =	sadd.s32 @!p0 $0x100000, s0  }
0x20d: {  	[sflag:s0] =	ssyncadd.tile.s32 @!p0 $0x1;
	_ =	shalt  }
.Lfunc_end2:
_tile_overlayer_lowered:
.L_overlay_start_2:
0x20e: {  	(tag) =	ssettag $0x2  }
0x20f: {  	s0 =	rddreg [dreg:$0x0];
	s2 =	stileid.u32  }
0x210: {  	s1 =	rddreg [dreg:$0x1];
	p0 =	sne.s32 s2, $0x0  }
0x211: {  	s3 =	rddreg [dreg:$0x2];
	[bflag:$0x3] =	sbarrier.arrive $0xFFFF;
	s2 =	simm.s32 @!p0 $0x1C0A  }
0x212: {  	[timem:s3], [sflag:s2] =	dma.local @!p0 [hbm:s0], s1  }
0x213: {  	s0 =	simm.s32 @!p0 $0xA  }
0x214: {  	_ =	swait.ge @!p0 [sflag:s0], s1  }
0x215: {  	s1 =	ssub.s32 @!p0 $0x0, s1;
	[sflag:s0] =	ssyncset.done @!p0 $0x0  }
0x216: {  	[sflag:s0] =	ssyncadd.s32 @!p0 s1  }
0x217: {  	[bflag:$0x3] =	sbarrier.arrive $0xFFFF  }
0x218: {  	_ =	shalt  }

</sc_bundles>
